<compile_context>
chip_gen: v7x
topology: tpu7x:2x2x1
jax: 0.10.2.dev20260603
libtpu: 0.0.44.dev20260713+nightly
codegen_flags: <defaults>
</compile_context>

<pallas_src>
import functools

import jax
import jax.numpy as jnp
from jax import lax
from jax.experimental import pallas as pl
from jax.experimental.pallas import tpu as pltpu
from jax.experimental.pallas import tpu_sc as plsc

B = 128
N = 35709
K = 64
C = 17
F = 51
NLM = C + F
NCAND = 1152
VB = 2432
NBF = 14
TAILV = NBF * VB
TAILW = N - TAILV
NB0 = 7
NB1 = 7
OUTW = NLM * 3
EXTW = 24


def _extract_block(buf, ext, vs_v, bs_v, j, d, iota, lane_hi, b_i):
    win = bs_v[pl.ds(j, 16)]
    s_lo = win[0]
    s_hi = win[1]
    vt = j * VB
    npairs = (s_hi - s_lo + 1) // 2

    def pair(i, carry):
        cand = s_lo + 2 * i + lane_hi
        msk = cand < s_hi
        v = plsc.load_gather(vs_v, [cand], mask=msk)
        col = v - vt
        val = plsc.load_gather(buf, [b_i, col], mask=msk)
        dst = cand * EXTW + d * 8 + b_i
        plsc.store_scatter(ext, [dst], val, mask=msk)
        return carry
    lax.fori_loop(0, npairs, pair, 0)


def _sc_body(tab_hbm, vs_hbm, sp_hbm, bs_hbm, out_hbm,
             vs_v, sp_v, bs_v, bufa, bufb, tbuf, ext, ext2, srcrow, outacc,
             shared, sema, semb):
    c = lax.axis_index("c")
    s = lax.axis_index("s")
    bbl = s % 8
    h = s // 8
    gbb = c * 8 + bbl
    b0 = gbb * 8
    iota = lax.iota(jnp.int32, 16)
    lane_hi = (iota >= 8).astype(jnp.int32)
    b_i = iota % 8

    pltpu.sync_copy(vs_hbm, vs_v.at[pl.ds(0, NCAND)])
    pltpu.sync_copy(sp_hbm, sp_v)
    pltpu.sync_copy(bs_hbm, bs_v)

    @pl.when(h == 1)
    def _():
        for d in range(3):
            row = pl.multiple_of(d * 128 + b0, 8)
            pltpu.sync_copy(
                tab_hbm.at[pl.ds(row, 8), pl.ds(TAILV, TAILW)], tbuf)
            _extract_block(tbuf, ext, vs_v, bs_v,
                           jnp.int32(NBF), d, iota, lane_hi, b_i)

    jb = jnp.where(h == 0, 0, NB0)
    nb = jnp.where(h == 0, NB0, NB1)
    total = 3 * nb

    def blk_slice(t):
        d = t // nb
        j = jb + t % nb
        row = pl.multiple_of(d * 128 + b0, 8)
        vt = pl.multiple_of((jb + t % nb) * VB, 128)
        return tab_hbm.at[pl.ds(row, 8), pl.ds(vt, VB)], d, j

    def issue(t, buf, sem):
        @pl.when(t < total)
        def _():
            src, _, _ = blk_slice(t)
            pltpu.async_copy(src, buf, sem)

    def drain_extract(t, buf, sem):
        @pl.when(t < total)
        def _():
            src, d, j = blk_slice(t)
            pltpu.make_async_copy(src, buf, sem).wait()
            _extract_block(buf, ext, vs_v, bs_v, j, d, iota, lane_hi, b_i)

    issue(jnp.int32(0), bufa, sema)

    def pipe(i, carry):
        t0 = 2 * i
        t1 = t0 + 1
        issue(t1, bufb, semb)
        drain_extract(t0, bufa, sema)
        issue(t0 + 2, bufa, sema)
        drain_extract(t1, bufb, semb)
        return carry
    lax.fori_loop(0, 11, pipe, 0)

    @pl.when(h == 1)
    def _():
        pltpu.sync_copy(ext, shared.at[bbl])
    plsc.subcore_barrier()

    @pl.when(h == 0)
    def _():
        pltpu.sync_copy(shared.at[bbl], ext2)
        n0 = bs_v[pl.ds(NB0, 16)][0]

        for ss in range(5):
            srcrow[pl.ds(ss * 16, 16)] = (ss * 16 + (K * C - C)) + iota

        def merged_gather(addr, sp):
            v0 = plsc.load_gather(ext, [addr])
            v1 = plsc.load_gather(ext2, [addr])
            return jnp.where(sp < n0, v0, v1)

        def batch_body(bi, carry):
            def col_body(cc, c2):
                comp = jnp.where(cc == 8, 1, 0)
                sgn = jnp.where(cc < 8, 1.0, -1.0)
                base = cc * K

                def chunk(q, st):
                    bk, br = st
                    slots = base + q * 16 + iota
                    sp = plsc.load_gather(sp_v, [slots])
                    val = merged_gather(sp * EXTW + comp * 8 + bi, sp)
                    key = val * sgn
                    upd = key < bk
                    return (jnp.where(upd, key, bk),
                            jnp.where(upd, slots, br))

                best_key, best_row = lax.fori_loop(
                    0, K // 16, chunk,
                    (jnp.full((16,), jnp.inf, jnp.float32),
                     jnp.zeros((16,), jnp.int32)))
                m = jnp.min(best_key)
                win = jnp.min(jnp.where(best_key == m, best_row,
                                        jnp.int32(2 ** 30)))
                plsc.store_scatter(srcrow, [jnp.full((16,), cc, jnp.int32)],
                                   jnp.full((16,), win, jnp.int32),
                                   mask=iota == 0)
                return c2
            lax.fori_loop(0, C, col_body, 0)

            def slot_body(t, c2):
                p = t * 16 + iota
                i = p // 3
                dc = p - i * 3
                slot = plsc.load_gather(srcrow, [i])
                sp = plsc.load_gather(sp_v, [slot])
                val = merged_gather(sp * EXTW + dc * 8 + bi, sp)
                plsc.store_scatter(outacc, [bi * OUTW + p], val)
                return c2
            lax.fori_loop(0, 13, slot_body, 0)
            return carry
        lax.fori_loop(0, 8, batch_body, 0)

        pltpu.sync_copy(outacc.at[pl.ds(0, 8 * OUTW)],
                        out_hbm.at[pl.ds(gbb * 8 * OUTW, 8 * OUTW)])


def kernel(batch_cam_vps, contour_idx, inface_idx):
    tab = jnp.transpose(batch_cam_vps, (2, 0, 1)).reshape(3 * B, N)

    ci = contour_idx.astype(jnp.int32)
    rows_canon = jnp.concatenate([
        ci.T.reshape(-1),
        inface_idx.astype(jnp.int32),
        jnp.zeros((NCAND - K * C - F,), jnp.int32),
    ])
    iot = jnp.arange(NCAND, dtype=jnp.int32)
    vsorted, order = lax.sort((rows_canon, iot), num_keys=1)
    sortpos = jnp.zeros((NCAND,), jnp.int32).at[order].set(iot)
    bnds = jnp.concatenate([
        jnp.arange(NBF + 1, dtype=jnp.int32) * VB,
        jnp.array([N], jnp.int32)])
    blockstart = jnp.concatenate([
        jnp.searchsorted(vsorted, bnds).astype(jnp.int32),
        jnp.zeros((48 - (NBF + 2),), jnp.int32)])

    mesh = plsc.VectorSubcoreMesh(core_axis_name="c", subcore_axis_name="s")
    run = functools.partial(
        pl.kernel,
        out_type=jax.ShapeDtypeStruct((B * OUTW,), jnp.float32),
        mesh=mesh,
        compiler_params=pltpu.CompilerParams(needs_layout_passes=False,
                                             use_tc_tiling_on_sc=True),
        scratch_types=[
            pltpu.VMEM((NCAND + 32,), jnp.int32),
            pltpu.VMEM((NCAND,), jnp.int32),
            pltpu.VMEM((48,), jnp.int32),
            pltpu.VMEM((8, VB), jnp.float32),
            pltpu.VMEM((8, VB), jnp.float32),
            pltpu.VMEM((8, TAILW), jnp.float32),
            pltpu.VMEM((NCAND * EXTW,), jnp.float32),
            pltpu.VMEM((NCAND * EXTW,), jnp.float32),
            pltpu.VMEM((80,), jnp.int32),
            pltpu.VMEM((8 * OUTW + 32,), jnp.float32),
            pltpu.VMEM_SHARED((8, NCAND * EXTW), jnp.float32),
            pltpu.SemaphoreType.DMA,
            pltpu.SemaphoreType.DMA,
        ],
    )(_sc_body)
    out = run(tab, vsorted.astype(jnp.int32), sortpos, blockstart)
    return out.reshape(B, NLM, 3)

# --- scband reference (transcript-rebuilt; emitter-appended) ---
"""Pipeline reference for scband-extract-land-mark-position-16604343566647 (READ-ONLY COPY).

The authoritative reference and input builder live on the scoring server;
editing this copy changes nothing except your own understanding.
"""

import jax, jax.numpy as jnp
import numpy as np


def setup_inputs(seed: int = 0) -> dict:
    key = jax.random.key(seed)
    k1, k2, k3 = jax.random.split(key, 3)
    B, N, K = 128, 35709, 64
    batch_cam_vps = jax.random.normal(k1, (B, N, 3), dtype=jnp.float32)
    contour_idx = jax.random.randint(k2, (K, 17), 0, N, dtype=jnp.int64)
    inface_idx = jax.random.randint(k3, (51,), 0, N, dtype=jnp.int64)
    return {"batch_cam_vps": batch_cam_vps, "contour_idx": contour_idx, "inface_idx": inface_idx}


def reference(batch_cam_vps, contour_idx, inface_idx):
    B = batch_cam_vps.shape[0]
    # contour_vps: [B, K, 17, 3] gather of candidate contour vertices
    contour_vps = batch_cam_vps[:, contour_idx, :]
    contour_vps_x = contour_vps[:, :, :, 0]  # [B, K, 17]
    contour_vps_y = contour_vps[:, :, :, 1]
    # left jaw landmarks: argmin over candidates of x for columns 0..7
    left_sel = jnp.argmin(contour_vps_x[:, :, :8], axis=-2)  # [B, 8]
    left_contour_idx = jnp.take_along_axis(contour_idx[:, :8], left_sel, axis=0)  # [B, 8]
    # chin center: argmax of y for column 8
    cent_sel = jnp.argmax(contour_vps_y[:, :, 8:9], axis=-2)  # [B, 1]
    cent_contour_idx = jnp.take_along_axis(contour_idx[:, 8:9], cent_sel, axis=0)  # [B, 1]
    # right jaw: argmax of x for columns 9..16
    righ_sel = jnp.argmax(contour_vps_x[:, :, 9:17], axis=-2)  # [B, 8]
    righ_contour_idx = jnp.take_along_axis(contour_idx[:, 9:17], righ_sel, axis=0)  # [B, 8]
    in_face_idx = jnp.broadcast_to(inface_idx.reshape(1, 51), (B, 51))
    lm_idx = jnp.concatenate([left_contour_idx, cent_contour_idx, righ_contour_idx, in_face_idx], axis=-1)  # [B, 68]
    # gather final 3D landmark positions: [B, 68, 3]
    lm_posi = jnp.take_along_axis(batch_cam_vps, lm_idx[:, :, None], axis=1)
    return lm_posi

if __name__ == "__main__":
    import jax
    _d = setup_inputs()
    print(jax.jit(kernel)(*tuple(_d.values())))

</pallas_src>

<mosaic_0001>
#map = affine_map<(d0, d1) -> (0, 0)>
#map1 = affine_map<(d0, d1) -> (0)>
module attributes {stable_mosaic.version = 14 : i64} {
  func.func @_sc_body(%arg0: i32, %arg1: i32, %arg2: memref<384x35709xf32, #tpu.memory_space<hbm>>, %arg3: memref<1152xi32, #tpu.memory_space<hbm>>, %arg4: memref<1152xi32, #tpu.memory_space<hbm>>, %arg5: memref<48xi32, #tpu.memory_space<hbm>>, %arg6: memref<26112xf32, #tpu.memory_space<hbm>>, %arg7: memref<1184xi32, #tpu.memory_space<vmem>>, %arg8: memref<1152xi32, #tpu.memory_space<vmem>>, %arg9: memref<48xi32, #tpu.memory_space<vmem>>, %arg10: memref<8x2432xf32, #tpu.memory_space<vmem>>, %arg11: memref<8x2432xf32, #tpu.memory_space<vmem>>, %arg12: memref<8x1661xf32, #tpu.memory_space<vmem>>, %arg13: memref<27648xf32, #tpu.memory_space<vmem>>, %arg14: memref<27648xf32, #tpu.memory_space<vmem>>, %arg15: memref<80xi32, #tpu.memory_space<vmem>>, %arg16: memref<1664xf32, #tpu.memory_space<vmem>>, %arg17: memref<8x27648xf32, #tpu.memory_space<vmem_shared>>, %arg18: memref<!tpu.dma_semaphore, #tpu.memory_space<semaphore_mem>>, %arg19: memref<!tpu.dma_semaphore, #tpu.memory_space<semaphore_mem>>) attributes {dimension_semantics = [#tpu.dimension_semantics<core_parallel>, #tpu.dimension_semantics<subcore_parallel>], iteration_bounds = array<i64: 2, 16>, scalar_prefetch = 0 : i64, scratch_operands = 13 : i64, tpu.core_type = #tpu.core_type<sc_vector_subcore>, window_params = [{transform_indices = #map}, {transform_indices = #map1}, {transform_indices = #map1}, {transform_indices = #map1}, {transform_indices = #map1}]} {
    %jit3A = arith.constant 8 : i32
    %eq3A = arith.constant 0 : i32
    %eq3A_0 = arith.cmpi eq, %jit3A, %eq3A : i32
    %jit3A_1 = arith.constant 1 : i32
    %select_n3A = arith.select %eq3A_0, %jit3A_1, %jit3A : i32
    %rem3A = arith.remsi %arg1, %select_n3A : i32
    %ne3A = arith.constant 0 : i32
    %ne3A_2 = arith.cmpi ne, %rem3A, %ne3A : i32
    %lt3A = arith.constant 0 : i32
    %lt3A_3 = arith.cmpi slt, %rem3A, %lt3A : i32
    %lt3A_4 = arith.constant 0 : i32
    %lt3A_5 = arith.cmpi slt, %select_n3A, %lt3A_4 : i32
    %ne3A_6 = arith.xori %lt3A_3, %lt3A_5 : i1
    %and3A = arith.andi %ne3A_6, %ne3A_2 : i1
    %add3A = arith.addi %rem3A, %select_n3A : i32
    %select_n3A_7 = arith.select %and3A, %add3A, %rem3A : i32
    %jit3A_8 = arith.constant 8 : i32
    %div3A = arith.divsi %arg1, %jit3A_8 : i32
    %sign3A = arith.constant 0 : i32
    %sign3A_9 = arith.cmpi sgt, %arg1, %sign3A : i32
    %sign3A_10 = arith.extui %sign3A_9 : i1 to i32
    %sign3A_11 = arith.constant 0 : i32
    %sign3A_12 = arith.cmpi slt, %arg1, %sign3A_11 : i32
    %sign3A_13 = arith.extui %sign3A_12 : i1 to i32
    %sign3A_14 = arith.subi %sign3A_10, %sign3A_13 : i32
    %sign3A_15 = arith.constant 0 : i32
    %sign3A_16 = arith.cmpi sgt, %jit3A_8, %sign3A_15 : i32
    %sign3A_17 = arith.extui %sign3A_16 : i1 to i32
    %sign3A_18 = arith.constant 0 : i32
    %sign3A_19 = arith.cmpi slt, %jit3A_8, %sign3A_18 : i32
    %sign3A_20 = arith.extui %sign3A_19 : i1 to i32
    %sign3A_21 = arith.subi %sign3A_17, %sign3A_20 : i32
    %ne3A_22 = arith.cmpi ne, %sign3A_14, %sign3A_21 : i32
    %rem3A_23 = arith.remsi %arg1, %jit3A_8 : i32
    %ne3A_24 = arith.constant 0 : i32
    %ne3A_25 = arith.cmpi ne, %rem3A_23, %ne3A_24 : i32
    %and3A_26 = arith.andi %ne3A_22, %ne3A_25 : i1
    %sub3A = arith.constant 1 : i32
    %sub3A_27 = arith.subi %div3A, %sub3A : i32
    %select_n3A_28 = arith.select %and3A_26, %sub3A_27, %div3A : i32
    %mul3A = arith.constant 8 : i32
    %mul3A_29 = arith.muli %arg0, %mul3A : i32
    %add3A_30 = arith.addi %mul3A_29, %select_n3A_7 : i32
    %mul3A_31 = arith.constant 8 : i32
    %mul3A_32 = arith.muli %add3A_30, %mul3A_31 : i32
    %iota3A = tpu.iota {dimensions = array<i32: 0>} : vector<16xi32>
    %ge3A = arith.constant 8 : i32
    %ge3A_33 = vector.broadcast %ge3A : i32 to vector<16xi32>
    %ge3A_34 = arith.cmpi sge, %iota3A, %ge3A_33 : vector<16xi32>
    %convert_element_type3A = arith.extui %ge3A_34 : vector<16xi1> to vector<16xi32>
    %jit3A_35 = arith.constant 8 : i32
    %eq3A_36 = arith.constant 0 : i32
    %eq3A_37 = arith.cmpi eq, %jit3A_35, %eq3A_36 : i32
    %jit3A_38 = arith.constant 1 : i32
    %select_n3A_39 = arith.select %eq3A_37, %jit3A_38, %jit3A_35 : i32
    %rem3A_40 = vector.broadcast %select_n3A_39 : i32 to vector<16xi32>
    %rem3A_41 = arith.remsi %iota3A, %rem3A_40 : vector<16xi32>
    %ne3A_42 = arith.constant 0 : i32
    %ne3A_43 = vector.broadcast %ne3A_42 : i32 to vector<16xi32>
    %ne3A_44 = arith.cmpi ne, %rem3A_41, %ne3A_43 : vector<16xi32>
    %lt3A_45 = arith.constant 0 : i32
    %lt3A_46 = vector.broadcast %lt3A_45 : i32 to vector<16xi32>
    %lt3A_47 = arith.cmpi slt, %rem3A_41, %lt3A_46 : vector<16xi32>
    %lt3A_48 = arith.constant 0 : i32
    %lt3A_49 = arith.cmpi slt, %select_n3A_39, %lt3A_48 : i32
    %ne3A_50 = vector.broadcast %lt3A_49 : i1 to vector<16xi1>
    %ne3A_51 = vector.broadcast %ne3A_50 : vector<16xi1> to vector<16xi1>
    %ne3A_52 = arith.xori %lt3A_47, %ne3A_51 : vector<16xi1>
    %and3A_53 = arith.andi %ne3A_52, %ne3A_44 : vector<16xi1>
    %add3A_54 = vector.broadcast %select_n3A_39 : i32 to vector<16xi32>
    %add3A_55 = arith.addi %rem3A_41, %add3A_54 : vector<16xi32>
    %select_n3A_56 = arith.select %and3A_53, %add3A_55, %rem3A_41 : vector<16xi1>, vector<16xi32>
    "tpu.region"() ({
      %run_scoped3A = tpu.sem_alloc : memref<!tpu.dma_semaphore, #tpu.memory_space<semaphore_mem>>
      %dma_start3A = arith.constant 0 : i32
      %dma_start3A_94 = tpu.memref_slice %arg7[%dma_start3A] : memref<1184xi32, #tpu.memory_space<vmem>> -> memref<1152xi32, #tpu.memory_space<vmem>>
      %dma_start3A_95 = arith.constant 0 : i32
      %dma_start3A_96 = tpu.memref_slice %arg7[%dma_start3A_95] : memref<1184xi32, #tpu.memory_space<vmem>> -> memref<1152xi32, #tpu.memory_space<vmem>>
      tpu.enqueue_dma source(%arg3 : memref<1152xi32, #tpu.memory_space<hbm>>) target(%dma_start3A_96 : memref<1152xi32, #tpu.memory_space<vmem>>) target_semaphore(%run_scoped3A : memref<!tpu.dma_semaphore, #tpu.memory_space<semaphore_mem>>)
      %dma_wait3A = arith.constant 0 : i32
      %dma_wait3A_97 = tpu.memref_slice %arg7[%dma_wait3A] : memref<1184xi32, #tpu.memory_space<vmem>> -> memref<1152xi32, #tpu.memory_space<vmem>>
      %dma_wait3A_98 = arith.constant 0 : i32
      %dma_wait3A_99 = tpu.memref_slice %arg7[%dma_wait3A_98] : memref<1184xi32, #tpu.memory_space<vmem>> -> memref<1152xi32, #tpu.memory_space<vmem>>
      tpu.wait_dma2 semaphore(%run_scoped3A : memref<!tpu.dma_semaphore, #tpu.memory_space<semaphore_mem>>) src(%arg3 : memref<1152xi32, #tpu.memory_space<hbm>>) dst(%dma_wait3A_99 : memref<1152xi32, #tpu.memory_space<vmem>>)
      tpu.yield
    }) : () -> ()
    "tpu.region"() ({
      %run_scoped3A = tpu.sem_alloc : memref<!tpu.dma_semaphore, #tpu.memory_space<semaphore_mem>>
      tpu.enqueue_dma source(%arg4 : memref<1152xi32, #tpu.memory_space<hbm>>) target(%arg8 : memref<1152xi32, #tpu.memory_space<vmem>>) target_semaphore(%run_scoped3A : memref<!tpu.dma_semaphore, #tpu.memory_space<semaphore_mem>>)
      tpu.wait_dma2 semaphore(%run_scoped3A : memref<!tpu.dma_semaphore, #tpu.memory_space<semaphore_mem>>) src(%arg4 : memref<1152xi32, #tpu.memory_space<hbm>>) dst(%arg8 : memref<1152xi32, #tpu.memory_space<vmem>>)
      tpu.yield
    }) : () -> ()
    "tpu.region"() ({
      %run_scoped3A = tpu.sem_alloc : memref<!tpu.dma_semaphore, #tpu.memory_space<semaphore_mem>>
      tpu.enqueue_dma source(%arg5 : memref<48xi32, #tpu.memory_space<hbm>>) target(%arg9 : memref<48xi32, #tpu.memory_space<vmem>>) target_semaphore(%run_scoped3A : memref<!tpu.dma_semaphore, #tpu.memory_space<semaphore_mem>>)
      tpu.wait_dma2 semaphore(%run_scoped3A : memref<!tpu.dma_semaphore, #tpu.memory_space<semaphore_mem>>) src(%arg5 : memref<48xi32, #tpu.memory_space<hbm>>) dst(%arg9 : memref<48xi32, #tpu.memory_space<vmem>>)
      tpu.yield
    }) : () -> ()
    %eq3A_57 = arith.constant 1 : i32
    %eq3A_58 = arith.cmpi eq, %select_n3A_28, %eq3A_57 : i32
    %convert_element_type3A_59 = arith.extui %eq3A_58 : i1 to i32
    %cond3A = arith.constant 0 : i32
    %cond3A_60 = arith.cmpi ne, %convert_element_type3A_59, %cond3A : i32
    scf.if %cond3A_60 {
      %add3A_94 = arith.constant 0 : i32
      %add3A_95 = arith.addi %add3A_94, %mul3A_32 : i32
      %multiple_of3A = tpu.assume_multiple %add3A_95, 8 : i32
      "tpu.region"() ({
        %run_scoped3A = tpu.sem_alloc : memref<!tpu.dma_semaphore, #tpu.memory_space<semaphore_mem>>
        %dma_start3A = arith.constant 34048 : i32
        %dma_start3A_239 = tpu.memref_slice %arg2[%multiple_of3A, %dma_start3A] : memref<384x35709xf32, #tpu.memory_space<hbm>> -> memref<8x1661xf32, #tpu.memory_space<hbm>>
        %dma_start3A_240 = arith.constant 34048 : i32
        %dma_start3A_241 = tpu.memref_slice %arg2[%multiple_of3A, %dma_start3A_240] : memref<384x35709xf32, #tpu.memory_space<hbm>> -> memref<8x1661xf32, #tpu.memory_space<hbm>>
        tpu.enqueue_dma source(%dma_start3A_241 : memref<8x1661xf32, #tpu.memory_space<hbm>>) target(%arg12 : memref<8x1661xf32, #tpu.memory_space<vmem>>) target_semaphore(%run_scoped3A : memref<!tpu.dma_semaphore, #tpu.memory_space<semaphore_mem>>)
        %dma_wait3A = arith.constant 34048 : i32
        %dma_wait3A_242 = tpu.memref_slice %arg2[%multiple_of3A, %dma_wait3A] : memref<384x35709xf32, #tpu.memory_space<hbm>> -> memref<8x1661xf32, #tpu.memory_space<hbm>>
        %dma_wait3A_243 = arith.constant 34048 : i32
        %dma_wait3A_244 = tpu.memref_slice %arg2[%multiple_of3A, %dma_wait3A_243] : memref<384x35709xf32, #tpu.memory_space<hbm>> -> memref<8x1661xf32, #tpu.memory_space<hbm>>
        tpu.wait_dma2 semaphore(%run_scoped3A : memref<!tpu.dma_semaphore, #tpu.memory_space<semaphore_mem>>) src(%dma_wait3A_244 : memref<8x1661xf32, #tpu.memory_space<hbm>>) dst(%arg12 : memref<8x1661xf32, #tpu.memory_space<vmem>>)
        tpu.yield
      }) : () -> ()
      %get3A = arith.constant 14 : i32
      %get3A_96 = arith.index_cast %get3A : i32 to index
      %get3A_97 = tpu.vector_load %arg9[%get3A_96] {strides = array<i32>} : memref<48xi32, #tpu.memory_space<vmem>>, vector<16xi32>,
      %slice3A = vector.extract_strided_slice %get3A_97 {offsets = [0], sizes = [1], strides = [1]} : vector<16xi32> to vector<1xi32>
      %squeeze3A = vector.extract %slice3A[0] : i32 from vector<1xi32>
      %slice3A_98 = vector.extract_strided_slice %get3A_97 {offsets = [1], sizes = [1], strides = [1]} : vector<16xi32> to vector<1xi32>
      %squeeze3A_99 = vector.extract %slice3A_98[0] : i32 from vector<1xi32>
      %mul3A_100 = arith.constant 14 : i32
      %mul3A_101 = arith.constant 2432 : i32
      %mul3A_102 = arith.muli %mul3A_100, %mul3A_101 : i32
      %sub3A_103 = arith.subi %squeeze3A_99, %squeeze3A : i32
      %add3A_104 = arith.constant 1 : i32
      %add3A_105 = arith.addi %sub3A_103, %add3A_104 : i32
      %jit3A_106 = arith.constant 2 : i32
      %div3A_107 = arith.divsi %add3A_105, %jit3A_106 : i32
      %sign3A_108 = arith.constant 0 : i32
      %sign3A_109 = arith.cmpi sgt, %add3A_105, %sign3A_108 : i32
      %sign3A_110 = arith.extui %sign3A_109 : i1 to i32
      %sign3A_111 = arith.constant 0 : i32
      %sign3A_112 = arith.cmpi slt, %add3A_105, %sign3A_111 : i32
      %sign3A_113 = arith.extui %sign3A_112 : i1 to i32
      %sign3A_114 = arith.subi %sign3A_110, %sign3A_113 : i32
      %sign3A_115 = arith.constant 0 : i32
      %sign3A_116 = arith.cmpi sgt, %jit3A_106, %sign3A_115 : i32
      %sign3A_117 = arith.extui %sign3A_116 : i1 to i32
      %sign3A_118 = arith.constant 0 : i32
      %sign3A_119 = arith.cmpi slt, %jit3A_106, %sign3A_118 : i32
      %sign3A_120 = arith.extui %sign3A_119 : i1 to i32
      %sign3A_121 = arith.subi %sign3A_117, %sign3A_120 : i32
      %ne3A_122 = arith.cmpi ne, %sign3A_114, %sign3A_121 : i32
      %rem3A_123 = arith.remsi %add3A_105, %jit3A_106 : i32
      %ne3A_124 = arith.constant 0 : i32
      %ne3A_125 = arith.cmpi ne, %rem3A_123, %ne3A_124 : i32
      %and3A_126 = arith.andi %ne3A_122, %ne3A_125 : i1
      %sub3A_127 = arith.constant 1 : i32
      %sub3A_128 = arith.subi %div3A_107, %sub3A_127 : i32
      %select_n3A_129 = arith.select %and3A_126, %sub3A_128, %div3A_107 : i32
      %while3A = arith.constant 0 : i32
      %while3A_130 = arith.constant 0 : i32
      %while3A_131 = arith.subi %select_n3A_129, %while3A_130 : i32
      %while3A_132 = arith.addi %while3A_130, %while3A_131 : i32
      %while3A_133 = arith.constant 1 : i32
      %while3A_134 = arith.divsi %while3A_131, %while3A_133 : i32
      %while3A_135 = arith.muli %while3A_134, %while3A_133 : i32
      %while3A_136 = arith.addi %while3A_130, %while3A_135 : i32
      %while3A_137 = arith.constant 1 : i32
      scf.for %while3A_239 = %while3A_130 to %while3A_136 step %while3A_137  : i32 {
        %mul3A_240 = arith.constant 2 : i32
        %mul3A_241 = arith.muli %mul3A_240, %while3A_239 : i32
        %add3A_242 = arith.addi %squeeze3A, %mul3A_241 : i32
        %add3A_243 = vector.broadcast %add3A_242 : i32 to vector<16xi32>
        %add3A_244 = arith.addi %add3A_243, %convert_element_type3A : vector<16xi32>
        %lt3A_245 = vector.broadcast %squeeze3A_99 : i32 to vector<16xi32>
        %lt3A_246 = arith.cmpi slt, %add3A_244, %lt3A_245 : vector<16xi32>
        %gather3A = tpu.vector_load_idx %arg7[%add3A_244] masked %lt3A_246 : memref<1184xi32, #tpu.memory_space<vmem>>[vector<16xi32>], vector<16xi32>, vector<16xi1>
        %sub3A_247 = vector.broadcast %mul3A_102 : i32 to vector<16xi32>
        %sub3A_248 = arith.subi %gather3A, %sub3A_247 : vector<16xi32>
        %gather3A_249 = tpu.vector_load_idx %arg12[%select_n3A_56, %sub3A_248] masked %lt3A_246 : memref<8x1661xf32, #tpu.memory_space<vmem>>[vector<16xi32>, vector<16xi32>], vector<16xf32>, vector<16xi1>
        %mul3A_250 = arith.constant 24 : i32
        %mul3A_251 = vector.broadcast %mul3A_250 : i32 to vector<16xi32>
        %mul3A_252 = arith.muli %add3A_244, %mul3A_251 : vector<16xi32>
        %add3A_253 = arith.constant 0 : i32
        %add3A_254 = vector.broadcast %add3A_253 : i32 to vector<16xi32>
        %add3A_255 = arith.addi %mul3A_252, %add3A_254 : vector<16xi32>
        %add3A_256 = arith.addi %add3A_255, %select_n3A_56 : vector<16xi32>
        tpu.vector_store_idx %arg13[%add3A_256], %gather3A_249 masked %lt3A_246 : memref<27648xf32, #tpu.memory_space<vmem>>[vector<16xi32>], vector<16xf32>, vector<16xi1>
      }
      %while3A_138 = arith.constant 1 : i32
      scf.for %while3A_239 = %while3A_136 to %while3A_132 step %while3A_138  : i32 {
        %mul3A_240 = arith.constant 2 : i32
        %mul3A_241 = arith.muli %mul3A_240, %while3A_239 : i32
        %add3A_242 = arith.addi %squeeze3A, %mul3A_241 : i32
        %add3A_243 = vector.broadcast %add3A_242 : i32 to vector<16xi32>
        %add3A_244 = arith.addi %add3A_243, %convert_element_type3A : vector<16xi32>
        %lt3A_245 = vector.broadcast %squeeze3A_99 : i32 to vector<16xi32>
        %lt3A_246 = arith.cmpi slt, %add3A_244, %lt3A_245 : vector<16xi32>
        %gather3A = tpu.vector_load_idx %arg7[%add3A_244] masked %lt3A_246 : memref<1184xi32, #tpu.memory_space<vmem>>[vector<16xi32>], vector<16xi32>, vector<16xi1>
        %sub3A_247 = vector.broadcast %mul3A_102 : i32 to vector<16xi32>
        %sub3A_248 = arith.subi %gather3A, %sub3A_247 : vector<16xi32>
        %gather3A_249 = tpu.vector_load_idx %arg12[%select_n3A_56, %sub3A_248] masked %lt3A_246 : memref<8x1661xf32, #tpu.memory_space<vmem>>[vector<16xi32>, vector<16xi32>], vector<16xf32>, vector<16xi1>
        %mul3A_250 = arith.constant 24 : i32
        %mul3A_251 = vector.broadcast %mul3A_250 : i32 to vector<16xi32>
        %mul3A_252 = arith.muli %add3A_244, %mul3A_251 : vector<16xi32>
        %add3A_253 = arith.constant 0 : i32
        %add3A_254 = vector.broadcast %add3A_253 : i32 to vector<16xi32>
        %add3A_255 = arith.addi %mul3A_252, %add3A_254 : vector<16xi32>
        %add3A_256 = arith.addi %add3A_255, %select_n3A_56 : vector<16xi32>
        tpu.vector_store_idx %arg13[%add3A_256], %gather3A_249 masked %lt3A_246 : memref<27648xf32, #tpu.memory_space<vmem>>[vector<16xi32>], vector<16xf32>, vector<16xi1>
      }
      %add3A_139 = arith.constant 128 : i32
      %add3A_140 = arith.addi %add3A_139, %mul3A_32 : i32
      %multiple_of3A_141 = tpu.assume_multiple %add3A_140, 8 : i32
      "tpu.region"() ({
        %run_scoped3A = tpu.sem_alloc : memref<!tpu.dma_semaphore, #tpu.memory_space<semaphore_mem>>
        %dma_start3A = arith.constant 34048 : i32
        %dma_start3A_239 = tpu.memref_slice %arg2[%multiple_of3A_141, %dma_start3A] : memref<384x35709xf32, #tpu.memory_space<hbm>> -> memref<8x1661xf32, #tpu.memory_space<hbm>>
        %dma_start3A_240 = arith.constant 34048 : i32
        %dma_start3A_241 = tpu.memref_slice %arg2[%multiple_of3A_141, %dma_start3A_240] : memref<384x35709xf32, #tpu.memory_space<hbm>> -> memref<8x1661xf32, #tpu.memory_space<hbm>>
        tpu.enqueue_dma source(%dma_start3A_241 : memref<8x1661xf32, #tpu.memory_space<hbm>>) target(%arg12 : memref<8x1661xf32, #tpu.memory_space<vmem>>) target_semaphore(%run_scoped3A : memref<!tpu.dma_semaphore, #tpu.memory_space<semaphore_mem>>)
        %dma_wait3A = arith.constant 34048 : i32
        %dma_wait3A_242 = tpu.memref_slice %arg2[%multiple_of3A_141, %dma_wait3A] : memref<384x35709xf32, #tpu.memory_space<hbm>> -> memref<8x1661xf32, #tpu.memory_space<hbm>>
        %dma_wait3A_243 = arith.constant 34048 : i32
        %dma_wait3A_244 = tpu.memref_slice %arg2[%multiple_of3A_141, %dma_wait3A_243] : memref<384x35709xf32, #tpu.memory_space<hbm>> -> memref<8x1661xf32, #tpu.memory_space<hbm>>
        tpu.wait_dma2 semaphore(%run_scoped3A : memref<!tpu.dma_semaphore, #tpu.memory_space<semaphore_mem>>) src(%dma_wait3A_244 : memref<8x1661xf32, #tpu.memory_space<hbm>>) dst(%arg12 : memref<8x1661xf32, #tpu.memory_space<vmem>>)
        tpu.yield
      }) : () -> ()
      %get3A_142 = arith.constant 14 : i32
      %get3A_143 = arith.index_cast %get3A_142 : i32 to index
      %get3A_144 = tpu.vector_load %arg9[%get3A_143] {strides = array<i32>} : memref<48xi32, #tpu.memory_space<vmem>>, vector<16xi32>,
      %slice3A_145 = vector.extract_strided_slice %get3A_144 {offsets = [0], sizes = [1], strides = [1]} : vector<16xi32> to vector<1xi32>
      %squeeze3A_146 = vector.extract %slice3A_145[0] : i32 from vector<1xi32>
      %slice3A_147 = vector.extract_strided_slice %get3A_144 {offsets = [1], sizes = [1], strides = [1]} : vector<16xi32> to vector<1xi32>
      %squeeze3A_148 = vector.extract %slice3A_147[0] : i32 from vector<1xi32>
      %mul3A_149 = arith.constant 14 : i32
      %mul3A_150 = arith.constant 2432 : i32
      %mul3A_151 = arith.muli %mul3A_149, %mul3A_150 : i32
      %sub3A_152 = arith.subi %squeeze3A_148, %squeeze3A_146 : i32
      %add3A_153 = arith.constant 1 : i32
      %add3A_154 = arith.addi %sub3A_152, %add3A_153 : i32
      %jit3A_155 = arith.constant 2 : i32
      %div3A_156 = arith.divsi %add3A_154, %jit3A_155 : i32
      %sign3A_157 = arith.constant 0 : i32
      %sign3A_158 = arith.cmpi sgt, %add3A_154, %sign3A_157 : i32
      %sign3A_159 = arith.extui %sign3A_158 : i1 to i32
      %sign3A_160 = arith.constant 0 : i32
      %sign3A_161 = arith.cmpi slt, %add3A_154, %sign3A_160 : i32
      %sign3A_162 = arith.extui %sign3A_161 : i1 to i32
      %sign3A_163 = arith.subi %sign3A_159, %sign3A_162 : i32
      %sign3A_164 = arith.constant 0 : i32
      %sign3A_165 = arith.cmpi sgt, %jit3A_155, %sign3A_164 : i32
      %sign3A_166 = arith.extui %sign3A_165 : i1 to i32
      %sign3A_167 = arith.constant 0 : i32
      %sign3A_168 = arith.cmpi slt, %jit3A_155, %sign3A_167 : i32
      %sign3A_169 = arith.extui %sign3A_168 : i1 to i32
      %sign3A_170 = arith.subi %sign3A_166, %sign3A_169 : i32
      %ne3A_171 = arith.cmpi ne, %sign3A_163, %sign3A_170 : i32
      %rem3A_172 = arith.remsi %add3A_154, %jit3A_155 : i32
      %ne3A_173 = arith.constant 0 : i32
      %ne3A_174 = arith.cmpi ne, %rem3A_172, %ne3A_173 : i32
      %and3A_175 = arith.andi %ne3A_171, %ne3A_174 : i1
      %sub3A_176 = arith.constant 1 : i32
      %sub3A_177 = arith.subi %div3A_156, %sub3A_176 : i32
      %select_n3A_178 = arith.select %and3A_175, %sub3A_177, %div3A_156 : i32
      %while3A_179 = arith.constant 0 : i32
      %while3A_180 = arith.constant 0 : i32
      %while3A_181 = arith.subi %select_n3A_178, %while3A_180 : i32
      %while3A_182 = arith.addi %while3A_180, %while3A_181 : i32
      %while3A_183 = arith.constant 1 : i32
      %while3A_184 = arith.divsi %while3A_181, %while3A_183 : i32
      %while3A_185 = arith.muli %while3A_184, %while3A_183 : i32
      %while3A_186 = arith.addi %while3A_180, %while3A_185 : i32
      %while3A_187 = arith.constant 1 : i32
      scf.for %while3A_239 = %while3A_180 to %while3A_186 step %while3A_187  : i32 {
        %mul3A_240 = arith.constant 2 : i32
        %mul3A_241 = arith.muli %mul3A_240, %while3A_239 : i32
        %add3A_242 = arith.addi %squeeze3A_146, %mul3A_241 : i32
        %add3A_243 = vector.broadcast %add3A_242 : i32 to vector<16xi32>
        %add3A_244 = arith.addi %add3A_243, %convert_element_type3A : vector<16xi32>
        %lt3A_245 = vector.broadcast %squeeze3A_148 : i32 to vector<16xi32>
        %lt3A_246 = arith.cmpi slt, %add3A_244, %lt3A_245 : vector<16xi32>
        %gather3A = tpu.vector_load_idx %arg7[%add3A_244] masked %lt3A_246 : memref<1184xi32, #tpu.memory_space<vmem>>[vector<16xi32>], vector<16xi32>, vector<16xi1>
        %sub3A_247 = vector.broadcast %mul3A_151 : i32 to vector<16xi32>
        %sub3A_248 = arith.subi %gather3A, %sub3A_247 : vector<16xi32>
        %gather3A_249 = tpu.vector_load_idx %arg12[%select_n3A_56, %sub3A_248] masked %lt3A_246 : memref<8x1661xf32, #tpu.memory_space<vmem>>[vector<16xi32>, vector<16xi32>], vector<16xf32>, vector<16xi1>
        %mul3A_250 = arith.constant 24 : i32
        %mul3A_251 = vector.broadcast %mul3A_250 : i32 to vector<16xi32>
        %mul3A_252 = arith.muli %add3A_244, %mul3A_251 : vector<16xi32>
        %add3A_253 = arith.constant 8 : i32
        %add3A_254 = vector.broadcast %add3A_253 : i32 to vector<16xi32>
        %add3A_255 = arith.addi %mul3A_252, %add3A_254 : vector<16xi32>
        %add3A_256 = arith.addi %add3A_255, %select_n3A_56 : vector<16xi32>
        tpu.vector_store_idx %arg13[%add3A_256], %gather3A_249 masked %lt3A_246 : memref<27648xf32, #tpu.memory_space<vmem>>[vector<16xi32>], vector<16xf32>, vector<16xi1>
      }
      %while3A_188 = arith.constant 1 : i32
      scf.for %while3A_239 = %while3A_186 to %while3A_182 step %while3A_188  : i32 {
        %mul3A_240 = arith.constant 2 : i32
        %mul3A_241 = arith.muli %mul3A_240, %while3A_239 : i32
        %add3A_242 = arith.addi %squeeze3A_146, %mul3A_241 : i32
        %add3A_243 = vector.broadcast %add3A_242 : i32 to vector<16xi32>
        %add3A_244 = arith.addi %add3A_243, %convert_element_type3A : vector<16xi32>
        %lt3A_245 = vector.broadcast %squeeze3A_148 : i32 to vector<16xi32>
        %lt3A_246 = arith.cmpi slt, %add3A_244, %lt3A_245 : vector<16xi32>
        %gather3A = tpu.vector_load_idx %arg7[%add3A_244] masked %lt3A_246 : memref<1184xi32, #tpu.memory_space<vmem>>[vector<16xi32>], vector<16xi32>, vector<16xi1>
        %sub3A_247 = vector.broadcast %mul3A_151 : i32 to vector<16xi32>
        %sub3A_248 = arith.subi %gather3A, %sub3A_247 : vector<16xi32>
        %gather3A_249 = tpu.vector_load_idx %arg12[%select_n3A_56, %sub3A_248] masked %lt3A_246 : memref<8x1661xf32, #tpu.memory_space<vmem>>[vector<16xi32>, vector<16xi32>], vector<16xf32>, vector<16xi1>
        %mul3A_250 = arith.constant 24 : i32
        %mul3A_251 = vector.broadcast %mul3A_250 : i32 to vector<16xi32>
        %mul3A_252 = arith.muli %add3A_244, %mul3A_251 : vector<16xi32>
        %add3A_253 = arith.constant 8 : i32
        %add3A_254 = vector.broadcast %add3A_253 : i32 to vector<16xi32>
        %add3A_255 = arith.addi %mul3A_252, %add3A_254 : vector<16xi32>
        %add3A_256 = arith.addi %add3A_255, %select_n3A_56 : vector<16xi32>
        tpu.vector_store_idx %arg13[%add3A_256], %gather3A_249 masked %lt3A_246 : memref<27648xf32, #tpu.memory_space<vmem>>[vector<16xi32>], vector<16xf32>, vector<16xi1>
      }
      %add3A_189 = arith.constant 256 : i32
      %add3A_190 = arith.addi %add3A_189, %mul3A_32 : i32
      %multiple_of3A_191 = tpu.assume_multiple %add3A_190, 8 : i32
      "tpu.region"() ({
        %run_scoped3A = tpu.sem_alloc : memref<!tpu.dma_semaphore, #tpu.memory_space<semaphore_mem>>
        %dma_start3A = arith.constant 34048 : i32
        %dma_start3A_239 = tpu.memref_slice %arg2[%multiple_of3A_191, %dma_start3A] : memref<384x35709xf32, #tpu.memory_space<hbm>> -> memref<8x1661xf32, #tpu.memory_space<hbm>>
        %dma_start3A_240 = arith.constant 34048 : i32
        %dma_start3A_241 = tpu.memref_slice %arg2[%multiple_of3A_191, %dma_start3A_240] : memref<384x35709xf32, #tpu.memory_space<hbm>> -> memref<8x1661xf32, #tpu.memory_space<hbm>>
        tpu.enqueue_dma source(%dma_start3A_241 : memref<8x1661xf32, #tpu.memory_space<hbm>>) target(%arg12 : memref<8x1661xf32, #tpu.memory_space<vmem>>) target_semaphore(%run_scoped3A : memref<!tpu.dma_semaphore, #tpu.memory_space<semaphore_mem>>)
        %dma_wait3A = arith.constant 34048 : i32
        %dma_wait3A_242 = tpu.memref_slice %arg2[%multiple_of3A_191, %dma_wait3A] : memref<384x35709xf32, #tpu.memory_space<hbm>> -> memref<8x1661xf32, #tpu.memory_space<hbm>>
        %dma_wait3A_243 = arith.constant 34048 : i32
        %dma_wait3A_244 = tpu.memref_slice %arg2[%multiple_of3A_191, %dma_wait3A_243] : memref<384x35709xf32, #tpu.memory_space<hbm>> -> memref<8x1661xf32, #tpu.memory_space<hbm>>
        tpu.wait_dma2 semaphore(%run_scoped3A : memref<!tpu.dma_semaphore, #tpu.memory_space<semaphore_mem>>) src(%dma_wait3A_244 : memref<8x1661xf32, #tpu.memory_space<hbm>>) dst(%arg12 : memref<8x1661xf32, #tpu.memory_space<vmem>>)
        tpu.yield
      }) : () -> ()
      %get3A_192 = arith.constant 14 : i32
      %get3A_193 = arith.index_cast %get3A_192 : i32 to index
      %get3A_194 = tpu.vector_load %arg9[%get3A_193] {strides = array<i32>} : memref<48xi32, #tpu.memory_space<vmem>>, vector<16xi32>,
      %slice3A_195 = vector.extract_strided_slice %get3A_194 {offsets = [0], sizes = [1], strides = [1]} : vector<16xi32> to vector<1xi32>
      %squeeze3A_196 = vector.extract %slice3A_195[0] : i32 from vector<1xi32>
      %slice3A_197 = vector.extract_strided_slice %get3A_194 {offsets = [1], sizes = [1], strides = [1]} : vector<16xi32> to vector<1xi32>
      %squeeze3A_198 = vector.extract %slice3A_197[0] : i32 from vector<1xi32>
      %mul3A_199 = arith.constant 14 : i32
      %mul3A_200 = arith.constant 2432 : i32
      %mul3A_201 = arith.muli %mul3A_199, %mul3A_200 : i32
      %sub3A_202 = arith.subi %squeeze3A_198, %squeeze3A_196 : i32
      %add3A_203 = arith.constant 1 : i32
      %add3A_204 = arith.addi %sub3A_202, %add3A_203 : i32
      %jit3A_205 = arith.constant 2 : i32
      %div3A_206 = arith.divsi %add3A_204, %jit3A_205 : i32
      %sign3A_207 = arith.constant 0 : i32
      %sign3A_208 = arith.cmpi sgt, %add3A_204, %sign3A_207 : i32
      %sign3A_209 = arith.extui %sign3A_208 : i1 to i32
      %sign3A_210 = arith.constant 0 : i32
      %sign3A_211 = arith.cmpi slt, %add3A_204, %sign3A_210 : i32
      %sign3A_212 = arith.extui %sign3A_211 : i1 to i32
      %sign3A_213 = arith.subi %sign3A_209, %sign3A_212 : i32
      %sign3A_214 = arith.constant 0 : i32
      %sign3A_215 = arith.cmpi sgt, %jit3A_205, %sign3A_214 : i32
      %sign3A_216 = arith.extui %sign3A_215 : i1 to i32
      %sign3A_217 = arith.constant 0 : i32
      %sign3A_218 = arith.cmpi slt, %jit3A_205, %sign3A_217 : i32
      %sign3A_219 = arith.extui %sign3A_218 : i1 to i32
      %sign3A_220 = arith.subi %sign3A_216, %sign3A_219 : i32
      %ne3A_221 = arith.cmpi ne, %sign3A_213, %sign3A_220 : i32
      %rem3A_222 = arith.remsi %add3A_204, %jit3A_205 : i32
      %ne3A_223 = arith.constant 0 : i32
      %ne3A_224 = arith.cmpi ne, %rem3A_222, %ne3A_223 : i32
      %and3A_225 = arith.andi %ne3A_221, %ne3A_224 : i1
      %sub3A_226 = arith.constant 1 : i32
      %sub3A_227 = arith.subi %div3A_206, %sub3A_226 : i32
      %select_n3A_228 = arith.select %and3A_225, %sub3A_227, %div3A_206 : i32
      %while3A_229 = arith.constant 0 : i32
      %while3A_230 = arith.constant 0 : i32
      %while3A_231 = arith.subi %select_n3A_228, %while3A_230 : i32
      %while3A_232 = arith.addi %while3A_230, %while3A_231 : i32
      %while3A_233 = arith.constant 1 : i32
      %while3A_234 = arith.divsi %while3A_231, %while3A_233 : i32
      %while3A_235 = arith.muli %while3A_234, %while3A_233 : i32
      %while3A_236 = arith.addi %while3A_230, %while3A_235 : i32
      %while3A_237 = arith.constant 1 : i32
      scf.for %while3A_239 = %while3A_230 to %while3A_236 step %while3A_237  : i32 {
        %mul3A_240 = arith.constant 2 : i32
        %mul3A_241 = arith.muli %mul3A_240, %while3A_239 : i32
        %add3A_242 = arith.addi %squeeze3A_196, %mul3A_241 : i32
        %add3A_243 = vector.broadcast %add3A_242 : i32 to vector<16xi32>
        %add3A_244 = arith.addi %add3A_243, %convert_element_type3A : vector<16xi32>
        %lt3A_245 = vector.broadcast %squeeze3A_198 : i32 to vector<16xi32>
        %lt3A_246 = arith.cmpi slt, %add3A_244, %lt3A_245 : vector<16xi32>
        %gather3A = tpu.vector_load_idx %arg7[%add3A_244] masked %lt3A_246 : memref<1184xi32, #tpu.memory_space<vmem>>[vector<16xi32>], vector<16xi32>, vector<16xi1>
        %sub3A_247 = vector.broadcast %mul3A_201 : i32 to vector<16xi32>
        %sub3A_248 = arith.subi %gather3A, %sub3A_247 : vector<16xi32>
        %gather3A_249 = tpu.vector_load_idx %arg12[%select_n3A_56, %sub3A_248] masked %lt3A_246 : memref<8x1661xf32, #tpu.memory_space<vmem>>[vector<16xi32>, vector<16xi32>], vector<16xf32>, vector<16xi1>
        %mul3A_250 = arith.constant 24 : i32
        %mul3A_251 = vector.broadcast %mul3A_250 : i32 to vector<16xi32>
        %mul3A_252 = arith.muli %add3A_244, %mul3A_251 : vector<16xi32>
        %add3A_253 = arith.constant 16 : i32
        %add3A_254 = vector.broadcast %add3A_253 : i32 to vector<16xi32>
        %add3A_255 = arith.addi %mul3A_252, %add3A_254 : vector<16xi32>
        %add3A_256 = arith.addi %add3A_255, %select_n3A_56 : vector<16xi32>
        tpu.vector_store_idx %arg13[%add3A_256], %gather3A_249 masked %lt3A_246 : memref<27648xf32, #tpu.memory_space<vmem>>[vector<16xi32>], vector<16xf32>, vector<16xi1>
      }
      %while3A_238 = arith.constant 1 : i32
      scf.for %while3A_239 = %while3A_236 to %while3A_232 step %while3A_238  : i32 {
        %mul3A_240 = arith.constant 2 : i32
        %mul3A_241 = arith.muli %mul3A_240, %while3A_239 : i32
        %add3A_242 = arith.addi %squeeze3A_196, %mul3A_241 : i32
        %add3A_243 = vector.broadcast %add3A_242 : i32 to vector<16xi32>
        %add3A_244 = arith.addi %add3A_243, %convert_element_type3A : vector<16xi32>
        %lt3A_245 = vector.broadcast %squeeze3A_198 : i32 to vector<16xi32>
        %lt3A_246 = arith.cmpi slt, %add3A_244, %lt3A_245 : vector<16xi32>
        %gather3A = tpu.vector_load_idx %arg7[%add3A_244] masked %lt3A_246 : memref<1184xi32, #tpu.memory_space<vmem>>[vector<16xi32>], vector<16xi32>, vector<16xi1>
        %sub3A_247 = vector.broadcast %mul3A_201 : i32 to vector<16xi32>
        %sub3A_248 = arith.subi %gather3A, %sub3A_247 : vector<16xi32>
        %gather3A_249 = tpu.vector_load_idx %arg12[%select_n3A_56, %sub3A_248] masked %lt3A_246 : memref<8x1661xf32, #tpu.memory_space<vmem>>[vector<16xi32>, vector<16xi32>], vector<16xf32>, vector<16xi1>
        %mul3A_250 = arith.constant 24 : i32
        %mul3A_251 = vector.broadcast %mul3A_250 : i32 to vector<16xi32>
        %mul3A_252 = arith.muli %add3A_244, %mul3A_251 : vector<16xi32>
        %add3A_253 = arith.constant 16 : i32
        %add3A_254 = vector.broadcast %add3A_253 : i32 to vector<16xi32>
        %add3A_255 = arith.addi %mul3A_252, %add3A_254 : vector<16xi32>
        %add3A_256 = arith.addi %add3A_255, %select_n3A_56 : vector<16xi32>
        tpu.vector_store_idx %arg13[%add3A_256], %gather3A_249 masked %lt3A_246 : memref<27648xf32, #tpu.memory_space<vmem>>[vector<16xi32>], vector<16xf32>, vector<16xi1>
      }
    } else {
    }
    %eq3A_61 = arith.constant 0 : i32
    %eq3A_62 = arith.cmpi eq, %select_n3A_28, %eq3A_61 : i32
    %jit3A_63 = arith.constant 0 : i32
    %jit3A_64 = arith.constant 7 : i32
    %select_n3A_65 = arith.select %eq3A_62, %jit3A_63, %jit3A_64 : i32
    %eq3A_66 = arith.constant 0 : i32
    %eq3A_67 = arith.cmpi eq, %select_n3A_28, %eq3A_66 : i32
    %jit3A_68 = arith.constant 7 : i32
    %jit3A_69 = arith.constant 7 : i32
    %select_n3A_70 = arith.select %eq3A_67, %jit3A_68, %jit3A_69 : i32
    %mul3A_71 = arith.constant 3 : i32
    %mul3A_72 = arith.muli %mul3A_71, %select_n3A_70 : i32
    %lt3A_73 = arith.constant 0 : i32
    %lt3A_74 = arith.cmpi slt, %lt3A_73, %mul3A_72 : i32
    %convert_element_type3A_75 = arith.extui %lt3A_74 : i1 to i32
    %cond3A_76 = arith.constant 0 : i32
    %cond3A_77 = arith.constant 0 : i32
    %cond3A_78 = arith.cmpi ne, %convert_element_type3A_75, %cond3A_77 : i32
    scf.if %cond3A_78 {
      %div3A_94 = arith.divsi %cond3A_76, %select_n3A_70 : i32
      %sign3A_95 = arith.constant 0 : i32
      %sign3A_96 = arith.cmpi sgt, %cond3A_76, %sign3A_95 : i32
      %sign3A_97 = arith.extui %sign3A_96 : i1 to i32
      %sign3A_98 = arith.constant 0 : i32
      %sign3A_99 = arith.cmpi slt, %cond3A_76, %sign3A_98 : i32
      %sign3A_100 = arith.extui %sign3A_99 : i1 to i32
      %sign3A_101 = arith.subi %sign3A_97, %sign3A_100 : i32
      %sign3A_102 = arith.constant 0 : i32
      %sign3A_103 = arith.cmpi sgt, %select_n3A_70, %sign3A_102 : i32
      %sign3A_104 = arith.extui %sign3A_103 : i1 to i32
      %sign3A_105 = arith.constant 0 : i32
      %sign3A_106 = arith.cmpi slt, %select_n3A_70, %sign3A_105 : i32
      %sign3A_107 = arith.extui %sign3A_106 : i1 to i32
      %sign3A_108 = arith.subi %sign3A_104, %sign3A_107 : i32
      %ne3A_109 = arith.cmpi ne, %sign3A_101, %sign3A_108 : i32
      %rem3A_110 = arith.remsi %cond3A_76, %select_n3A_70 : i32
      %ne3A_111 = arith.constant 0 : i32
      %ne3A_112 = arith.cmpi ne, %rem3A_110, %ne3A_111 : i32
      %and3A_113 = arith.andi %ne3A_109, %ne3A_112 : i1
      %sub3A_114 = arith.constant 1 : i32
      %sub3A_115 = arith.subi %div3A_94, %sub3A_114 : i32
      %select_n3A_116 = arith.select %and3A_113, %sub3A_115, %div3A_94 : i32
      %eq3A_117 = arith.constant 0 : i32
      %eq3A_118 = arith.cmpi eq, %select_n3A_70, %eq3A_117 : i32
      %jit3A_119 = arith.constant 1 : i32
      %select_n3A_120 = arith.select %eq3A_118, %jit3A_119, %select_n3A_70 : i32
      %rem3A_121 = arith.remsi %cond3A_76, %select_n3A_120 : i32
      %ne3A_122 = arith.constant 0 : i32
      %ne3A_123 = arith.cmpi ne, %rem3A_121, %ne3A_122 : i32
      %lt3A_124 = arith.constant 0 : i32
      %lt3A_125 = arith.cmpi slt, %rem3A_121, %lt3A_124 : i32
      %lt3A_126 = arith.constant 0 : i32
      %lt3A_127 = arith.cmpi slt, %select_n3A_120, %lt3A_126 : i32
      %ne3A_128 = arith.xori %lt3A_125, %lt3A_127 : i1
      %and3A_129 = arith.andi %ne3A_128, %ne3A_123 : i1
      %add3A_130 = arith.addi %rem3A_121, %select_n3A_120 : i32
      %select_n3A_131 = arith.select %and3A_129, %add3A_130, %rem3A_121 : i32
      %add3A_132 = arith.addi %select_n3A_65, %select_n3A_131 : i32
      %mul3A_133 = arith.constant 128 : i32
      %mul3A_134 = arith.muli %select_n3A_116, %mul3A_133 : i32
      %add3A_135 = arith.addi %mul3A_134, %mul3A_32 : i32
      %multiple_of3A = tpu.assume_multiple %add3A_135, 8 : i32
      %eq3A_136 = arith.constant 0 : i32
      %eq3A_137 = arith.cmpi eq, %select_n3A_70, %eq3A_136 : i32
      %jit3A_138 = arith.constant 1 : i32
      %select_n3A_139 = arith.select %eq3A_137, %jit3A_138, %select_n3A_70 : i32
      %rem3A_140 = arith.remsi %cond3A_76, %select_n3A_139 : i32
      %ne3A_141 = arith.constant 0 : i32
      %ne3A_142 = arith.cmpi ne, %rem3A_140, %ne3A_141 : i32
      %lt3A_143 = arith.constant 0 : i32
      %lt3A_144 = arith.cmpi slt, %rem3A_140, %lt3A_143 : i32
      %lt3A_145 = arith.constant 0 : i32
      %lt3A_146 = arith.cmpi slt, %select_n3A_139, %lt3A_145 : i32
      %ne3A_147 = arith.xori %lt3A_144, %lt3A_146 : i1
      %and3A_148 = arith.andi %ne3A_147, %ne3A_142 : i1
      %add3A_149 = arith.addi %rem3A_140, %select_n3A_139 : i32
      %select_n3A_150 = arith.select %and3A_148, %add3A_149, %rem3A_140 : i32
      %add3A_151 = arith.addi %select_n3A_65, %select_n3A_150 : i32
      %mul3A_152 = arith.constant 2432 : i32
      %mul3A_153 = arith.muli %add3A_151, %mul3A_152 : i32
      %multiple_of3A_154 = tpu.assume_multiple %mul3A_153, 128 : i32
      %dma_start3A = tpu.memref_slice %arg2[%multiple_of3A, %multiple_of3A_154] : memref<384x35709xf32, #tpu.memory_space<hbm>> -> memref<8x2432xf32, #tpu.memory_space<hbm>>
      %dma_start3A_155 = tpu.memref_slice %arg2[%multiple_of3A, %multiple_of3A_154] : memref<384x35709xf32, #tpu.memory_space<hbm>> -> memref<8x2432xf32, #tpu.memory_space<hbm>>
      tpu.enqueue_dma source(%dma_start3A_155 : memref<8x2432xf32, #tpu.memory_space<hbm>>) target(%arg10 : memref<8x2432xf32, #tpu.memory_space<vmem>>) target_semaphore(%arg18 : memref<!tpu.dma_semaphore, #tpu.memory_space<semaphore_mem>>)
    } else {
    }
    %scan3A = arith.constant 0 : i32
    %scan3A_79 = arith.constant 0 : i32
    %scan3A_80 = arith.constant 11 : i32
    %scan3A_81 = arith.addi %scan3A_79, %scan3A_80 : i32
    %scan3A_82 = arith.constant 1 : i32
    scf.for %scan3A_94 = %scan3A_79 to %scan3A_81 step %scan3A_82  : i32 {
      %mul3A_95 = arith.constant 2 : i32
      %mul3A_96 = arith.muli %mul3A_95, %scan3A_94 : i32
      %add3A_97 = arith.constant 1 : i32
      %add3A_98 = arith.addi %mul3A_96, %add3A_97 : i32
      %lt3A_99 = arith.cmpi slt, %add3A_98, %mul3A_72 : i32
      %convert_element_type3A_100 = arith.extui %lt3A_99 : i1 to i32
      %cond3A_101 = arith.constant 0 : i32
      %cond3A_102 = arith.cmpi ne, %convert_element_type3A_100, %cond3A_101 : i32
      scf.if %cond3A_102 {
        %div3A_117 = arith.divsi %add3A_98, %select_n3A_70 : i32
        %sign3A_118 = arith.constant 0 : i32
        %sign3A_119 = arith.cmpi sgt, %add3A_98, %sign3A_118 : i32
        %sign3A_120 = arith.extui %sign3A_119 : i1 to i32
        %sign3A_121 = arith.constant 0 : i32
        %sign3A_122 = arith.cmpi slt, %add3A_98, %sign3A_121 : i32
        %sign3A_123 = arith.extui %sign3A_122 : i1 to i32
        %sign3A_124 = arith.subi %sign3A_120, %sign3A_123 : i32
        %sign3A_125 = arith.constant 0 : i32
        %sign3A_126 = arith.cmpi sgt, %select_n3A_70, %sign3A_125 : i32
        %sign3A_127 = arith.extui %sign3A_126 : i1 to i32
        %sign3A_128 = arith.constant 0 : i32
        %sign3A_129 = arith.cmpi slt, %select_n3A_70, %sign3A_128 : i32
        %sign3A_130 = arith.extui %sign3A_129 : i1 to i32
        %sign3A_131 = arith.subi %sign3A_127, %sign3A_130 : i32
        %ne3A_132 = arith.cmpi ne, %sign3A_124, %sign3A_131 : i32
        %rem3A_133 = arith.remsi %add3A_98, %select_n3A_70 : i32
        %ne3A_134 = arith.constant 0 : i32
        %ne3A_135 = arith.cmpi ne, %rem3A_133, %ne3A_134 : i32
        %and3A_136 = arith.andi %ne3A_132, %ne3A_135 : i1
        %sub3A_137 = arith.constant 1 : i32
        %sub3A_138 = arith.subi %div3A_117, %sub3A_137 : i32
        %select_n3A_139 = arith.select %and3A_136, %sub3A_138, %div3A_117 : i32
        %eq3A_140 = arith.constant 0 : i32
        %eq3A_141 = arith.cmpi eq, %select_n3A_70, %eq3A_140 : i32
        %jit3A_142 = arith.constant 1 : i32
        %select_n3A_143 = arith.select %eq3A_141, %jit3A_142, %select_n3A_70 : i32
        %rem3A_144 = arith.remsi %add3A_98, %select_n3A_143 : i32
        %ne3A_145 = arith.constant 0 : i32
        %ne3A_146 = arith.cmpi ne, %rem3A_144, %ne3A_145 : i32
        %lt3A_147 = arith.constant 0 : i32
        %lt3A_148 = arith.cmpi slt, %rem3A_144, %lt3A_147 : i32
        %lt3A_149 = arith.constant 0 : i32
        %lt3A_150 = arith.cmpi slt, %select_n3A_143, %lt3A_149 : i32
        %ne3A_151 = arith.xori %lt3A_148, %lt3A_150 : i1
        %and3A_152 = arith.andi %ne3A_151, %ne3A_146 : i1
        %add3A_153 = arith.addi %rem3A_144, %select_n3A_143 : i32
        %select_n3A_154 = arith.select %and3A_152, %add3A_153, %rem3A_144 : i32
        %add3A_155 = arith.addi %select_n3A_65, %select_n3A_154 : i32
        %mul3A_156 = arith.constant 128 : i32
        %mul3A_157 = arith.muli %select_n3A_139, %mul3A_156 : i32
        %add3A_158 = arith.addi %mul3A_157, %mul3A_32 : i32
        %multiple_of3A = tpu.assume_multiple %add3A_158, 8 : i32
        %eq3A_159 = arith.constant 0 : i32
        %eq3A_160 = arith.cmpi eq, %select_n3A_70, %eq3A_159 : i32
        %jit3A_161 = arith.constant 1 : i32
        %select_n3A_162 = arith.select %eq3A_160, %jit3A_161, %select_n3A_70 : i32
        %rem3A_163 = arith.remsi %add3A_98, %select_n3A_162 : i32
        %ne3A_164 = arith.constant 0 : i32
        %ne3A_165 = arith.cmpi ne, %rem3A_163, %ne3A_164 : i32
        %lt3A_166 = arith.constant 0 : i32
        %lt3A_167 = arith.cmpi slt, %rem3A_163, %lt3A_166 : i32
        %lt3A_168 = arith.constant 0 : i32
        %lt3A_169 = arith.cmpi slt, %select_n3A_162, %lt3A_168 : i32
        %ne3A_170 = arith.xori %lt3A_167, %lt3A_169 : i1
        %and3A_171 = arith.andi %ne3A_170, %ne3A_165 : i1
        %add3A_172 = arith.addi %rem3A_163, %select_n3A_162 : i32
        %select_n3A_173 = arith.select %and3A_171, %add3A_172, %rem3A_163 : i32
        %add3A_174 = arith.addi %select_n3A_65, %select_n3A_173 : i32
        %mul3A_175 = arith.constant 2432 : i32
        %mul3A_176 = arith.muli %add3A_174, %mul3A_175 : i32
        %multiple_of3A_177 = tpu.assume_multiple %mul3A_176, 128 : i32
        %dma_start3A = tpu.memref_slice %arg2[%multiple_of3A, %multiple_of3A_177] : memref<384x35709xf32, #tpu.memory_space<hbm>> -> memref<8x2432xf32, #tpu.memory_space<hbm>>
        %dma_start3A_178 = tpu.memref_slice %arg2[%multiple_of3A, %multiple_of3A_177] : memref<384x35709xf32, #tpu.memory_space<hbm>> -> memref<8x2432xf32, #tpu.memory_space<hbm>>
        tpu.enqueue_dma source(%dma_start3A_178 : memref<8x2432xf32, #tpu.memory_space<hbm>>) target(%arg11 : memref<8x2432xf32, #tpu.memory_space<vmem>>) target_semaphore(%arg19 : memref<!tpu.dma_semaphore, #tpu.memory_space<semaphore_mem>>)
      } else {
      }
      %lt3A_103 = arith.cmpi slt, %mul3A_96, %mul3A_72 : i32
      %convert_element_type3A_104 = arith.extui %lt3A_103 : i1 to i32
      %cond3A_105 = arith.constant 0 : i32
      %cond3A_106 = arith.cmpi ne, %convert_element_type3A_104, %cond3A_105 : i32
      scf.if %cond3A_106 {
        %div3A_117 = arith.divsi %mul3A_96, %select_n3A_70 : i32
        %sign3A_118 = arith.constant 0 : i32
        %sign3A_119 = arith.cmpi sgt, %mul3A_96, %sign3A_118 : i32
        %sign3A_120 = arith.extui %sign3A_119 : i1 to i32
        %sign3A_121 = arith.constant 0 : i32
        %sign3A_122 = arith.cmpi slt, %mul3A_96, %sign3A_121 : i32
        %sign3A_123 = arith.extui %sign3A_122 : i1 to i32
        %sign3A_124 = arith.subi %sign3A_120, %sign3A_123 : i32
        %sign3A_125 = arith.constant 0 : i32
        %sign3A_126 = arith.cmpi sgt, %select_n3A_70, %sign3A_125 : i32
        %sign3A_127 = arith.extui %sign3A_126 : i1 to i32
        %sign3A_128 = arith.constant 0 : i32
        %sign3A_129 = arith.cmpi slt, %select_n3A_70, %sign3A_128 : i32
        %sign3A_130 = arith.extui %sign3A_129 : i1 to i32
        %sign3A_131 = arith.subi %sign3A_127, %sign3A_130 : i32
        %ne3A_132 = arith.cmpi ne, %sign3A_124, %sign3A_131 : i32
        %rem3A_133 = arith.remsi %mul3A_96, %select_n3A_70 : i32
        %ne3A_134 = arith.constant 0 : i32
        %ne3A_135 = arith.cmpi ne, %rem3A_133, %ne3A_134 : i32
        %and3A_136 = arith.andi %ne3A_132, %ne3A_135 : i1
        %sub3A_137 = arith.constant 1 : i32
        %sub3A_138 = arith.subi %div3A_117, %sub3A_137 : i32
        %select_n3A_139 = arith.select %and3A_136, %sub3A_138, %div3A_117 : i32
        %eq3A_140 = arith.constant 0 : i32
        %eq3A_141 = arith.cmpi eq, %select_n3A_70, %eq3A_140 : i32
        %jit3A_142 = arith.constant 1 : i32
        %select_n3A_143 = arith.select %eq3A_141, %jit3A_142, %select_n3A_70 : i32
        %rem3A_144 = arith.remsi %mul3A_96, %select_n3A_143 : i32
        %ne3A_145 = arith.constant 0 : i32
        %ne3A_146 = arith.cmpi ne, %rem3A_144, %ne3A_145 : i32
        %lt3A_147 = arith.constant 0 : i32
        %lt3A_148 = arith.cmpi slt, %rem3A_144, %lt3A_147 : i32
        %lt3A_149 = arith.constant 0 : i32
        %lt3A_150 = arith.cmpi slt, %select_n3A_143, %lt3A_149 : i32
        %ne3A_151 = arith.xori %lt3A_148, %lt3A_150 : i1
        %and3A_152 = arith.andi %ne3A_151, %ne3A_146 : i1
        %add3A_153 = arith.addi %rem3A_144, %select_n3A_143 : i32
        %select_n3A_154 = arith.select %and3A_152, %add3A_153, %rem3A_144 : i32
        %add3A_155 = arith.addi %select_n3A_65, %select_n3A_154 : i32
        %mul3A_156 = arith.constant 128 : i32
        %mul3A_157 = arith.muli %select_n3A_139, %mul3A_156 : i32
        %add3A_158 = arith.addi %mul3A_157, %mul3A_32 : i32
        %multiple_of3A = tpu.assume_multiple %add3A_158, 8 : i32
        %eq3A_159 = arith.constant 0 : i32
        %eq3A_160 = arith.cmpi eq, %select_n3A_70, %eq3A_159 : i32
        %jit3A_161 = arith.constant 1 : i32
        %select_n3A_162 = arith.select %eq3A_160, %jit3A_161, %select_n3A_70 : i32
        %rem3A_163 = arith.remsi %mul3A_96, %select_n3A_162 : i32
        %ne3A_164 = arith.constant 0 : i32
        %ne3A_165 = arith.cmpi ne, %rem3A_163, %ne3A_164 : i32
        %lt3A_166 = arith.constant 0 : i32
        %lt3A_167 = arith.cmpi slt, %rem3A_163, %lt3A_166 : i32
        %lt3A_168 = arith.constant 0 : i32
        %lt3A_169 = arith.cmpi slt, %select_n3A_162, %lt3A_168 : i32
        %ne3A_170 = arith.xori %lt3A_167, %lt3A_169 : i1
        %and3A_171 = arith.andi %ne3A_170, %ne3A_165 : i1
        %add3A_172 = arith.addi %rem3A_163, %select_n3A_162 : i32
        %select_n3A_173 = arith.select %and3A_171, %add3A_172, %rem3A_163 : i32
        %add3A_174 = arith.addi %select_n3A_65, %select_n3A_173 : i32
        %mul3A_175 = arith.constant 2432 : i32
        %mul3A_176 = arith.muli %add3A_174, %mul3A_175 : i32
        %multiple_of3A_177 = tpu.assume_multiple %mul3A_176, 128 : i32
        %dma_wait3A = tpu.memref_slice %arg2[%multiple_of3A, %multiple_of3A_177] : memref<384x35709xf32, #tpu.memory_space<hbm>> -> memref<8x2432xf32, #tpu.memory_space<hbm>>
        %dma_wait3A_178 = tpu.memref_slice %arg2[%multiple_of3A, %multiple_of3A_177] : memref<384x35709xf32, #tpu.memory_space<hbm>> -> memref<8x2432xf32, #tpu.memory_space<hbm>>
        tpu.wait_dma2 semaphore(%arg18 : memref<!tpu.dma_semaphore, #tpu.memory_space<semaphore_mem>>) src(%dma_wait3A_178 : memref<8x2432xf32, #tpu.memory_space<hbm>>) dst(%arg10 : memref<8x2432xf32, #tpu.memory_space<vmem>>)
        %get3A = arith.index_cast %add3A_155 : i32 to index
        %get3A_179 = tpu.vector_load %arg9[%get3A] {strides = array<i32>} : memref<48xi32, #tpu.memory_space<vmem>>, vector<16xi32>,
        %slice3A = vector.extract_strided_slice %get3A_179 {offsets = [0], sizes = [1], strides = [1]} : vector<16xi32> to vector<1xi32>
        %squeeze3A = vector.extract %slice3A[0] : i32 from vector<1xi32>
        %slice3A_180 = vector.extract_strided_slice %get3A_179 {offsets = [1], sizes = [1], strides = [1]} : vector<16xi32> to vector<1xi32>
        %squeeze3A_181 = vector.extract %slice3A_180[0] : i32 from vector<1xi32>
        %mul3A_182 = arith.constant 2432 : i32
        %mul3A_183 = arith.muli %add3A_155, %mul3A_182 : i32
        %sub3A_184 = arith.subi %squeeze3A_181, %squeeze3A : i32
        %add3A_185 = arith.constant 1 : i32
        %add3A_186 = arith.addi %sub3A_184, %add3A_185 : i32
        %jit3A_187 = arith.constant 2 : i32
        %div3A_188 = arith.divsi %add3A_186, %jit3A_187 : i32
        %sign3A_189 = arith.constant 0 : i32
        %sign3A_190 = arith.cmpi sgt, %add3A_186, %sign3A_189 : i32
        %sign3A_191 = arith.extui %sign3A_190 : i1 to i32
        %sign3A_192 = arith.constant 0 : i32
        %sign3A_193 = arith.cmpi slt, %add3A_186, %sign3A_192 : i32
        %sign3A_194 = arith.extui %sign3A_193 : i1 to i32
        %sign3A_195 = arith.subi %sign3A_191, %sign3A_194 : i32
        %sign3A_196 = arith.constant 0 : i32
        %sign3A_197 = arith.cmpi sgt, %jit3A_187, %sign3A_196 : i32
        %sign3A_198 = arith.extui %sign3A_197 : i1 to i32
        %sign3A_199 = arith.constant 0 : i32
        %sign3A_200 = arith.cmpi slt, %jit3A_187, %sign3A_199 : i32
        %sign3A_201 = arith.extui %sign3A_200 : i1 to i32
        %sign3A_202 = arith.subi %sign3A_198, %sign3A_201 : i32
        %ne3A_203 = arith.cmpi ne, %sign3A_195, %sign3A_202 : i32
        %rem3A_204 = arith.remsi %add3A_186, %jit3A_187 : i32
        %ne3A_205 = arith.constant 0 : i32
        %ne3A_206 = arith.cmpi ne, %rem3A_204, %ne3A_205 : i32
        %and3A_207 = arith.andi %ne3A_203, %ne3A_206 : i1
        %sub3A_208 = arith.constant 1 : i32
        %sub3A_209 = arith.subi %div3A_188, %sub3A_208 : i32
        %select_n3A_210 = arith.select %and3A_207, %sub3A_209, %div3A_188 : i32
        %while3A = arith.constant 0 : i32
        %while3A_211 = arith.constant 0 : i32
        %while3A_212 = arith.subi %select_n3A_210, %while3A_211 : i32
        %while3A_213 = arith.addi %while3A_211, %while3A_212 : i32
        %while3A_214 = arith.constant 1 : i32
        %while3A_215 = arith.divsi %while3A_212, %while3A_214 : i32
        %while3A_216 = arith.muli %while3A_215, %while3A_214 : i32
        %while3A_217 = arith.addi %while3A_211, %while3A_216 : i32
        %while3A_218 = arith.constant 1 : i32
        scf.for %while3A_220 = %while3A_211 to %while3A_217 step %while3A_218  : i32 {
          %mul3A_221 = arith.constant 2 : i32
          %mul3A_222 = arith.muli %mul3A_221, %while3A_220 : i32
          %add3A_223 = arith.addi %squeeze3A, %mul3A_222 : i32
          %add3A_224 = vector.broadcast %add3A_223 : i32 to vector<16xi32>
          %add3A_225 = arith.addi %add3A_224, %convert_element_type3A : vector<16xi32>
          %lt3A_226 = vector.broadcast %squeeze3A_181 : i32 to vector<16xi32>
          %lt3A_227 = arith.cmpi slt, %add3A_225, %lt3A_226 : vector<16xi32>
          %gather3A = tpu.vector_load_idx %arg7[%add3A_225] masked %lt3A_227 : memref<1184xi32, #tpu.memory_space<vmem>>[vector<16xi32>], vector<16xi32>, vector<16xi1>
          %sub3A_228 = vector.broadcast %mul3A_183 : i32 to vector<16xi32>
          %sub3A_229 = arith.subi %gather3A, %sub3A_228 : vector<16xi32>
          %gather3A_230 = tpu.vector_load_idx %arg10[%select_n3A_56, %sub3A_229] masked %lt3A_227 : memref<8x2432xf32, #tpu.memory_space<vmem>>[vector<16xi32>, vector<16xi32>], vector<16xf32>, vector<16xi1>
          %mul3A_231 = arith.constant 24 : i32
          %mul3A_232 = vector.broadcast %mul3A_231 : i32 to vector<16xi32>
          %mul3A_233 = arith.muli %add3A_225, %mul3A_232 : vector<16xi32>
          %mul3A_234 = arith.constant 8 : i32
          %mul3A_235 = arith.muli %select_n3A_139, %mul3A_234 : i32
          %add3A_236 = vector.broadcast %mul3A_235 : i32 to vector<16xi32>
          %add3A_237 = arith.addi %mul3A_233, %add3A_236 : vector<16xi32>
          %add3A_238 = arith.addi %add3A_237, %select_n3A_56 : vector<16xi32>
          tpu.vector_store_idx %arg13[%add3A_238], %gather3A_230 masked %lt3A_227 : memref<27648xf32, #tpu.memory_space<vmem>>[vector<16xi32>], vector<16xf32>, vector<16xi1>
        }
        %while3A_219 = arith.constant 1 : i32
        scf.for %while3A_220 = %while3A_217 to %while3A_213 step %while3A_219  : i32 {
          %mul3A_221 = arith.constant 2 : i32
          %mul3A_222 = arith.muli %mul3A_221, %while3A_220 : i32
          %add3A_223 = arith.addi %squeeze3A, %mul3A_222 : i32
          %add3A_224 = vector.broadcast %add3A_223 : i32 to vector<16xi32>
          %add3A_225 = arith.addi %add3A_224, %convert_element_type3A : vector<16xi32>
          %lt3A_226 = vector.broadcast %squeeze3A_181 : i32 to vector<16xi32>
          %lt3A_227 = arith.cmpi slt, %add3A_225, %lt3A_226 : vector<16xi32>
          %gather3A = tpu.vector_load_idx %arg7[%add3A_225] masked %lt3A_227 : memref<1184xi32, #tpu.memory_space<vmem>>[vector<16xi32>], vector<16xi32>, vector<16xi1>
          %sub3A_228 = vector.broadcast %mul3A_183 : i32 to vector<16xi32>
          %sub3A_229 = arith.subi %gather3A, %sub3A_228 : vector<16xi32>
          %gather3A_230 = tpu.vector_load_idx %arg10[%select_n3A_56, %sub3A_229] masked %lt3A_227 : memref<8x2432xf32, #tpu.memory_space<vmem>>[vector<16xi32>, vector<16xi32>], vector<16xf32>, vector<16xi1>
          %mul3A_231 = arith.constant 24 : i32
          %mul3A_232 = vector.broadcast %mul3A_231 : i32 to vector<16xi32>
          %mul3A_233 = arith.muli %add3A_225, %mul3A_232 : vector<16xi32>
          %mul3A_234 = arith.constant 8 : i32
          %mul3A_235 = arith.muli %select_n3A_139, %mul3A_234 : i32
          %add3A_236 = vector.broadcast %mul3A_235 : i32 to vector<16xi32>
          %add3A_237 = arith.addi %mul3A_233, %add3A_236 : vector<16xi32>
          %add3A_238 = arith.addi %add3A_237, %select_n3A_56 : vector<16xi32>
          tpu.vector_store_idx %arg13[%add3A_238], %gather3A_230 masked %lt3A_227 : memref<27648xf32, #tpu.memory_space<vmem>>[vector<16xi32>], vector<16xf32>, vector<16xi1>
        }
      } else {
      }
      %add3A_107 = arith.constant 2 : i32
      %add3A_108 = arith.addi %mul3A_96, %add3A_107 : i32
      %lt3A_109 = arith.cmpi slt, %add3A_108, %mul3A_72 : i32
      %convert_element_type3A_110 = arith.extui %lt3A_109 : i1 to i32
      %cond3A_111 = arith.constant 0 : i32
      %cond3A_112 = arith.cmpi ne, %convert_element_type3A_110, %cond3A_111 : i32
      scf.if %cond3A_112 {
        %div3A_117 = arith.divsi %add3A_108, %select_n3A_70 : i32
        %sign3A_118 = arith.constant 0 : i32
        %sign3A_119 = arith.cmpi sgt, %add3A_108, %sign3A_118 : i32
        %sign3A_120 = arith.extui %sign3A_119 : i1 to i32
        %sign3A_121 = arith.constant 0 : i32
        %sign3A_122 = arith.cmpi slt, %add3A_108, %sign3A_121 : i32
        %sign3A_123 = arith.extui %sign3A_122 : i1 to i32
        %sign3A_124 = arith.subi %sign3A_120, %sign3A_123 : i32
        %sign3A_125 = arith.constant 0 : i32
        %sign3A_126 = arith.cmpi sgt, %select_n3A_70, %sign3A_125 : i32
        %sign3A_127 = arith.extui %sign3A_126 : i1 to i32
        %sign3A_128 = arith.constant 0 : i32
        %sign3A_129 = arith.cmpi slt, %select_n3A_70, %sign3A_128 : i32
        %sign3A_130 = arith.extui %sign3A_129 : i1 to i32
        %sign3A_131 = arith.subi %sign3A_127, %sign3A_130 : i32
        %ne3A_132 = arith.cmpi ne, %sign3A_124, %sign3A_131 : i32
        %rem3A_133 = arith.remsi %add3A_108, %select_n3A_70 : i32
        %ne3A_134 = arith.constant 0 : i32
        %ne3A_135 = arith.cmpi ne, %rem3A_133, %ne3A_134 : i32
        %and3A_136 = arith.andi %ne3A_132, %ne3A_135 : i1
        %sub3A_137 = arith.constant 1 : i32
        %sub3A_138 = arith.subi %div3A_117, %sub3A_137 : i32
        %select_n3A_139 = arith.select %and3A_136, %sub3A_138, %div3A_117 : i32
        %eq3A_140 = arith.constant 0 : i32
        %eq3A_141 = arith.cmpi eq, %select_n3A_70, %eq3A_140 : i32
        %jit3A_142 = arith.constant 1 : i32
        %select_n3A_143 = arith.select %eq3A_141, %jit3A_142, %select_n3A_70 : i32
        %rem3A_144 = arith.remsi %add3A_108, %select_n3A_143 : i32
        %ne3A_145 = arith.constant 0 : i32
        %ne3A_146 = arith.cmpi ne, %rem3A_144, %ne3A_145 : i32
        %lt3A_147 = arith.constant 0 : i32
        %lt3A_148 = arith.cmpi slt, %rem3A_144, %lt3A_147 : i32
        %lt3A_149 = arith.constant 0 : i32
        %lt3A_150 = arith.cmpi slt, %select_n3A_143, %lt3A_149 : i32
        %ne3A_151 = arith.xori %lt3A_148, %lt3A_150 : i1
        %and3A_152 = arith.andi %ne3A_151, %ne3A_146 : i1
        %add3A_153 = arith.addi %rem3A_144, %select_n3A_143 : i32
        %select_n3A_154 = arith.select %and3A_152, %add3A_153, %rem3A_144 : i32
        %add3A_155 = arith.addi %select_n3A_65, %select_n3A_154 : i32
        %mul3A_156 = arith.constant 128 : i32
        %mul3A_157 = arith.muli %select_n3A_139, %mul3A_156 : i32
        %add3A_158 = arith.addi %mul3A_157, %mul3A_32 : i32
        %multiple_of3A = tpu.assume_multiple %add3A_158, 8 : i32
        %eq3A_159 = arith.constant 0 : i32
        %eq3A_160 = arith.cmpi eq, %select_n3A_70, %eq3A_159 : i32
        %jit3A_161 = arith.constant 1 : i32
        %select_n3A_162 = arith.select %eq3A_160, %jit3A_161, %select_n3A_70 : i32
        %rem3A_163 = arith.remsi %add3A_108, %select_n3A_162 : i32
        %ne3A_164 = arith.constant 0 : i32
        %ne3A_165 = arith.cmpi ne, %rem3A_163, %ne3A_164 : i32
        %lt3A_166 = arith.constant 0 : i32
        %lt3A_167 = arith.cmpi slt, %rem3A_163, %lt3A_166 : i32
        %lt3A_168 = arith.constant 0 : i32
        %lt3A_169 = arith.cmpi slt, %select_n3A_162, %lt3A_168 : i32
        %ne3A_170 = arith.xori %lt3A_167, %lt3A_169 : i1
        %and3A_171 = arith.andi %ne3A_170, %ne3A_165 : i1
        %add3A_172 = arith.addi %rem3A_163, %select_n3A_162 : i32
        %select_n3A_173 = arith.select %and3A_171, %add3A_172, %rem3A_163 : i32
        %add3A_174 = arith.addi %select_n3A_65, %select_n3A_173 : i32
        %mul3A_175 = arith.constant 2432 : i32
        %mul3A_176 = arith.muli %add3A_174, %mul3A_175 : i32
        %multiple_of3A_177 = tpu.assume_multiple %mul3A_176, 128 : i32
        %dma_start3A = tpu.memref_slice %arg2[%multiple_of3A, %multiple_of3A_177] : memref<384x35709xf32, #tpu.memory_space<hbm>> -> memref<8x2432xf32, #tpu.memory_space<hbm>>
        %dma_start3A_178 = tpu.memref_slice %arg2[%multiple_of3A, %multiple_of3A_177] : memref<384x35709xf32, #tpu.memory_space<hbm>> -> memref<8x2432xf32, #tpu.memory_space<hbm>>
        tpu.enqueue_dma source(%dma_start3A_178 : memref<8x2432xf32, #tpu.memory_space<hbm>>) target(%arg10 : memref<8x2432xf32, #tpu.memory_space<vmem>>) target_semaphore(%arg18 : memref<!tpu.dma_semaphore, #tpu.memory_space<semaphore_mem>>)
      } else {
      }
      %lt3A_113 = arith.cmpi slt, %add3A_98, %mul3A_72 : i32
      %convert_element_type3A_114 = arith.extui %lt3A_113 : i1 to i32
      %cond3A_115 = arith.constant 0 : i32
      %cond3A_116 = arith.cmpi ne, %convert_element_type3A_114, %cond3A_115 : i32
      scf.if %cond3A_116 {
        %div3A_117 = arith.divsi %add3A_98, %select_n3A_70 : i32
        %sign3A_118 = arith.constant 0 : i32
        %sign3A_119 = arith.cmpi sgt, %add3A_98, %sign3A_118 : i32
        %sign3A_120 = arith.extui %sign3A_119 : i1 to i32
        %sign3A_121 = arith.constant 0 : i32
        %sign3A_122 = arith.cmpi slt, %add3A_98, %sign3A_121 : i32
        %sign3A_123 = arith.extui %sign3A_122 : i1 to i32
        %sign3A_124 = arith.subi %sign3A_120, %sign3A_123 : i32
        %sign3A_125 = arith.constant 0 : i32
        %sign3A_126 = arith.cmpi sgt, %select_n3A_70, %sign3A_125 : i32
        %sign3A_127 = arith.extui %sign3A_126 : i1 to i32
        %sign3A_128 = arith.constant 0 : i32
        %sign3A_129 = arith.cmpi slt, %select_n3A_70, %sign3A_128 : i32
        %sign3A_130 = arith.extui %sign3A_129 : i1 to i32
        %sign3A_131 = arith.subi %sign3A_127, %sign3A_130 : i32
        %ne3A_132 = arith.cmpi ne, %sign3A_124, %sign3A_131 : i32
        %rem3A_133 = arith.remsi %add3A_98, %select_n3A_70 : i32
        %ne3A_134 = arith.constant 0 : i32
        %ne3A_135 = arith.cmpi ne, %rem3A_133, %ne3A_134 : i32
        %and3A_136 = arith.andi %ne3A_132, %ne3A_135 : i1
        %sub3A_137 = arith.constant 1 : i32
        %sub3A_138 = arith.subi %div3A_117, %sub3A_137 : i32
        %select_n3A_139 = arith.select %and3A_136, %sub3A_138, %div3A_117 : i32
        %eq3A_140 = arith.constant 0 : i32
        %eq3A_141 = arith.cmpi eq, %select_n3A_70, %eq3A_140 : i32
        %jit3A_142 = arith.constant 1 : i32
        %select_n3A_143 = arith.select %eq3A_141, %jit3A_142, %select_n3A_70 : i32
        %rem3A_144 = arith.remsi %add3A_98, %select_n3A_143 : i32
        %ne3A_145 = arith.constant 0 : i32
        %ne3A_146 = arith.cmpi ne, %rem3A_144, %ne3A_145 : i32
        %lt3A_147 = arith.constant 0 : i32
        %lt3A_148 = arith.cmpi slt, %rem3A_144, %lt3A_147 : i32
        %lt3A_149 = arith.constant 0 : i32
        %lt3A_150 = arith.cmpi slt, %select_n3A_143, %lt3A_149 : i32
        %ne3A_151 = arith.xori %lt3A_148, %lt3A_150 : i1
        %and3A_152 = arith.andi %ne3A_151, %ne3A_146 : i1
        %add3A_153 = arith.addi %rem3A_144, %select_n3A_143 : i32
        %select_n3A_154 = arith.select %and3A_152, %add3A_153, %rem3A_144 : i32
        %add3A_155 = arith.addi %select_n3A_65, %select_n3A_154 : i32
        %mul3A_156 = arith.constant 128 : i32
        %mul3A_157 = arith.muli %select_n3A_139, %mul3A_156 : i32
        %add3A_158 = arith.addi %mul3A_157, %mul3A_32 : i32
        %multiple_of3A = tpu.assume_multiple %add3A_158, 8 : i32
        %eq3A_159 = arith.constant 0 : i32
        %eq3A_160 = arith.cmpi eq, %select_n3A_70, %eq3A_159 : i32
        %jit3A_161 = arith.constant 1 : i32
        %select_n3A_162 = arith.select %eq3A_160, %jit3A_161, %select_n3A_70 : i32
        %rem3A_163 = arith.remsi %add3A_98, %select_n3A_162 : i32
        %ne3A_164 = arith.constant 0 : i32
        %ne3A_165 = arith.cmpi ne, %rem3A_163, %ne3A_164 : i32
        %lt3A_166 = arith.constant 0 : i32
        %lt3A_167 = arith.cmpi slt, %rem3A_163, %lt3A_166 : i32
        %lt3A_168 = arith.constant 0 : i32
        %lt3A_169 = arith.cmpi slt, %select_n3A_162, %lt3A_168 : i32
        %ne3A_170 = arith.xori %lt3A_167, %lt3A_169 : i1
        %and3A_171 = arith.andi %ne3A_170, %ne3A_165 : i1
        %add3A_172 = arith.addi %rem3A_163, %select_n3A_162 : i32
        %select_n3A_173 = arith.select %and3A_171, %add3A_172, %rem3A_163 : i32
        %add3A_174 = arith.addi %select_n3A_65, %select_n3A_173 : i32
        %mul3A_175 = arith.constant 2432 : i32
        %mul3A_176 = arith.muli %add3A_174, %mul3A_175 : i32
        %multiple_of3A_177 = tpu.assume_multiple %mul3A_176, 128 : i32
        %dma_wait3A = tpu.memref_slice %arg2[%multiple_of3A, %multiple_of3A_177] : memref<384x35709xf32, #tpu.memory_space<hbm>> -> memref<8x2432xf32, #tpu.memory_space<hbm>>
        %dma_wait3A_178 = tpu.memref_slice %arg2[%multiple_of3A, %multiple_of3A_177] : memref<384x35709xf32, #tpu.memory_space<hbm>> -> memref<8x2432xf32, #tpu.memory_space<hbm>>
        tpu.wait_dma2 semaphore(%arg19 : memref<!tpu.dma_semaphore, #tpu.memory_space<semaphore_mem>>) src(%dma_wait3A_178 : memref<8x2432xf32, #tpu.memory_space<hbm>>) dst(%arg11 : memref<8x2432xf32, #tpu.memory_space<vmem>>)
        %get3A = arith.index_cast %add3A_155 : i32 to index
        %get3A_179 = tpu.vector_load %arg9[%get3A] {strides = array<i32>} : memref<48xi32, #tpu.memory_space<vmem>>, vector<16xi32>,
        %slice3A = vector.extract_strided_slice %get3A_179 {offsets = [0], sizes = [1], strides = [1]} : vector<16xi32> to vector<1xi32>
        %squeeze3A = vector.extract %slice3A[0] : i32 from vector<1xi32>
        %slice3A_180 = vector.extract_strided_slice %get3A_179 {offsets = [1], sizes = [1], strides = [1]} : vector<16xi32> to vector<1xi32>
        %squeeze3A_181 = vector.extract %slice3A_180[0] : i32 from vector<1xi32>
        %mul3A_182 = arith.constant 2432 : i32
        %mul3A_183 = arith.muli %add3A_155, %mul3A_182 : i32
        %sub3A_184 = arith.subi %squeeze3A_181, %squeeze3A : i32
        %add3A_185 = arith.constant 1 : i32
        %add3A_186 = arith.addi %sub3A_184, %add3A_185 : i32
        %jit3A_187 = arith.constant 2 : i32
        %div3A_188 = arith.divsi %add3A_186, %jit3A_187 : i32
        %sign3A_189 = arith.constant 0 : i32
        %sign3A_190 = arith.cmpi sgt, %add3A_186, %sign3A_189 : i32
        %sign3A_191 = arith.extui %sign3A_190 : i1 to i32
        %sign3A_192 = arith.constant 0 : i32
        %sign3A_193 = arith.cmpi slt, %add3A_186, %sign3A_192 : i32
        %sign3A_194 = arith.extui %sign3A_193 : i1 to i32
        %sign3A_195 = arith.subi %sign3A_191, %sign3A_194 : i32
        %sign3A_196 = arith.constant 0 : i32
        %sign3A_197 = arith.cmpi sgt, %jit3A_187, %sign3A_196 : i32
        %sign3A_198 = arith.extui %sign3A_197 : i1 to i32
        %sign3A_199 = arith.constant 0 : i32
        %sign3A_200 = arith.cmpi slt, %jit3A_187, %sign3A_199 : i32
        %sign3A_201 = arith.extui %sign3A_200 : i1 to i32
        %sign3A_202 = arith.subi %sign3A_198, %sign3A_201 : i32
        %ne3A_203 = arith.cmpi ne, %sign3A_195, %sign3A_202 : i32
        %rem3A_204 = arith.remsi %add3A_186, %jit3A_187 : i32
        %ne3A_205 = arith.constant 0 : i32
        %ne3A_206 = arith.cmpi ne, %rem3A_204, %ne3A_205 : i32
        %and3A_207 = arith.andi %ne3A_203, %ne3A_206 : i1
        %sub3A_208 = arith.constant 1 : i32
        %sub3A_209 = arith.subi %div3A_188, %sub3A_208 : i32
        %select_n3A_210 = arith.select %and3A_207, %sub3A_209, %div3A_188 : i32
        %while3A = arith.constant 0 : i32
        %while3A_211 = arith.constant 0 : i32
        %while3A_212 = arith.subi %select_n3A_210, %while3A_211 : i32
        %while3A_213 = arith.addi %while3A_211, %while3A_212 : i32
        %while3A_214 = arith.constant 1 : i32
        %while3A_215 = arith.divsi %while3A_212, %while3A_214 : i32
        %while3A_216 = arith.muli %while3A_215, %while3A_214 : i32
        %while3A_217 = arith.addi %while3A_211, %while3A_216 : i32
        %while3A_218 = arith.constant 1 : i32
        scf.for %while3A_220 = %while3A_211 to %while3A_217 step %while3A_218  : i32 {
          %mul3A_221 = arith.constant 2 : i32
          %mul3A_222 = arith.muli %mul3A_221, %while3A_220 : i32
          %add3A_223 = arith.addi %squeeze3A, %mul3A_222 : i32
          %add3A_224 = vector.broadcast %add3A_223 : i32 to vector<16xi32>
          %add3A_225 = arith.addi %add3A_224, %convert_element_type3A : vector<16xi32>
          %lt3A_226 = vector.broadcast %squeeze3A_181 : i32 to vector<16xi32>
          %lt3A_227 = arith.cmpi slt, %add3A_225, %lt3A_226 : vector<16xi32>
          %gather3A = tpu.vector_load_idx %arg7[%add3A_225] masked %lt3A_227 : memref<1184xi32, #tpu.memory_space<vmem>>[vector<16xi32>], vector<16xi32>, vector<16xi1>
          %sub3A_228 = vector.broadcast %mul3A_183 : i32 to vector<16xi32>
          %sub3A_229 = arith.subi %gather3A, %sub3A_228 : vector<16xi32>
          %gather3A_230 = tpu.vector_load_idx %arg11[%select_n3A_56, %sub3A_229] masked %lt3A_227 : memref<8x2432xf32, #tpu.memory_space<vmem>>[vector<16xi32>, vector<16xi32>], vector<16xf32>, vector<16xi1>
          %mul3A_231 = arith.constant 24 : i32
          %mul3A_232 = vector.broadcast %mul3A_231 : i32 to vector<16xi32>
          %mul3A_233 = arith.muli %add3A_225, %mul3A_232 : vector<16xi32>
          %mul3A_234 = arith.constant 8 : i32
          %mul3A_235 = arith.muli %select_n3A_139, %mul3A_234 : i32
          %add3A_236 = vector.broadcast %mul3A_235 : i32 to vector<16xi32>
          %add3A_237 = arith.addi %mul3A_233, %add3A_236 : vector<16xi32>
          %add3A_238 = arith.addi %add3A_237, %select_n3A_56 : vector<16xi32>
          tpu.vector_store_idx %arg13[%add3A_238], %gather3A_230 masked %lt3A_227 : memref<27648xf32, #tpu.memory_space<vmem>>[vector<16xi32>], vector<16xf32>, vector<16xi1>
        }
        %while3A_219 = arith.constant 1 : i32
        scf.for %while3A_220 = %while3A_217 to %while3A_213 step %while3A_219  : i32 {
          %mul3A_221 = arith.constant 2 : i32
          %mul3A_222 = arith.muli %mul3A_221, %while3A_220 : i32
          %add3A_223 = arith.addi %squeeze3A, %mul3A_222 : i32
          %add3A_224 = vector.broadcast %add3A_223 : i32 to vector<16xi32>
          %add3A_225 = arith.addi %add3A_224, %convert_element_type3A : vector<16xi32>
          %lt3A_226 = vector.broadcast %squeeze3A_181 : i32 to vector<16xi32>
          %lt3A_227 = arith.cmpi slt, %add3A_225, %lt3A_226 : vector<16xi32>
          %gather3A = tpu.vector_load_idx %arg7[%add3A_225] masked %lt3A_227 : memref<1184xi32, #tpu.memory_space<vmem>>[vector<16xi32>], vector<16xi32>, vector<16xi1>
          %sub3A_228 = vector.broadcast %mul3A_183 : i32 to vector<16xi32>
          %sub3A_229 = arith.subi %gather3A, %sub3A_228 : vector<16xi32>
          %gather3A_230 = tpu.vector_load_idx %arg11[%select_n3A_56, %sub3A_229] masked %lt3A_227 : memref<8x2432xf32, #tpu.memory_space<vmem>>[vector<16xi32>, vector<16xi32>], vector<16xf32>, vector<16xi1>
          %mul3A_231 = arith.constant 24 : i32
          %mul3A_232 = vector.broadcast %mul3A_231 : i32 to vector<16xi32>
          %mul3A_233 = arith.muli %add3A_225, %mul3A_232 : vector<16xi32>
          %mul3A_234 = arith.constant 8 : i32
          %mul3A_235 = arith.muli %select_n3A_139, %mul3A_234 : i32
          %add3A_236 = vector.broadcast %mul3A_235 : i32 to vector<16xi32>
          %add3A_237 = arith.addi %mul3A_233, %add3A_236 : vector<16xi32>
          %add3A_238 = arith.addi %add3A_237, %select_n3A_56 : vector<16xi32>
          tpu.vector_store_idx %arg13[%add3A_238], %gather3A_230 masked %lt3A_227 : memref<27648xf32, #tpu.memory_space<vmem>>[vector<16xi32>], vector<16xf32>, vector<16xi1>
        }
      } else {
      }
    }
    %scan3A_83 = arith.constant 11 : i32
    %eq3A_84 = arith.constant 1 : i32
    %eq3A_85 = arith.cmpi eq, %select_n3A_28, %eq3A_84 : i32
    %convert_element_type3A_86 = arith.extui %eq3A_85 : i1 to i32
    %cond3A_87 = arith.constant 0 : i32
    %cond3A_88 = arith.cmpi ne, %convert_element_type3A_86, %cond3A_87 : i32
    scf.if %cond3A_88 {
      "tpu.region"() ({
        %run_scoped3A = tpu.sem_alloc : memref<!tpu.dma_semaphore, #tpu.memory_space<semaphore_mem>>
        %dma_start3A = arith.constant 0 : i32
        %dma_start3A_94 = tpu.memref_slice %arg17[%select_n3A_7, %dma_start3A] : memref<8x27648xf32, #tpu.memory_space<vmem_shared>> -> memref<1x27648xf32, #tpu.memory_space<vmem_shared>>
        %dma_start3A_95 = tpu.memref_squeeze %dma_start3A_94 : memref<1x27648xf32, #tpu.memory_space<vmem_shared>> -> memref<27648xf32, #tpu.memory_space<vmem_shared>>
        %dma_start3A_96 = arith.constant 0 : i32
        %dma_start3A_97 = tpu.memref_slice %arg17[%select_n3A_7, %dma_start3A_96] : memref<8x27648xf32, #tpu.memory_space<vmem_shared>> -> memref<1x27648xf32, #tpu.memory_space<vmem_shared>>
        %dma_start3A_98 = tpu.memref_squeeze %dma_start3A_97 : memref<1x27648xf32, #tpu.memory_space<vmem_shared>> -> memref<27648xf32, #tpu.memory_space<vmem_shared>>
        tpu.enqueue_dma source(%arg13 : memref<27648xf32, #tpu.memory_space<vmem>>) target(%dma_start3A_98 : memref<27648xf32, #tpu.memory_space<vmem_shared>>) target_semaphore(%run_scoped3A : memref<!tpu.dma_semaphore, #tpu.memory_space<semaphore_mem>>)
        %dma_wait3A = arith.constant 0 : i32
        %dma_wait3A_99 = tpu.memref_slice %arg17[%select_n3A_7, %dma_wait3A] : memref<8x27648xf32, #tpu.memory_space<vmem_shared>> -> memref<1x27648xf32, #tpu.memory_space<vmem_shared>>
        %dma_wait3A_100 = tpu.memref_squeeze %dma_wait3A_99 : memref<1x27648xf32, #tpu.memory_space<vmem_shared>> -> memref<27648xf32, #tpu.memory_space<vmem_shared>>
        %dma_wait3A_101 = arith.constant 0 : i32
        %dma_wait3A_102 = tpu.memref_slice %arg17[%select_n3A_7, %dma_wait3A_101] : memref<8x27648xf32, #tpu.memory_space<vmem_shared>> -> memref<1x27648xf32, #tpu.memory_space<vmem_shared>>
        %dma_wait3A_103 = tpu.memref_squeeze %dma_wait3A_102 : memref<1x27648xf32, #tpu.memory_space<vmem_shared>> -> memref<27648xf32, #tpu.memory_space<vmem_shared>>
        tpu.wait_dma2 semaphore(%run_scoped3A : memref<!tpu.dma_semaphore, #tpu.memory_space<semaphore_mem>>) src(%arg13 : memref<27648xf32, #tpu.memory_space<vmem>>) dst(%dma_wait3A_103 : memref<27648xf32, #tpu.memory_space<vmem_shared>>)
        tpu.yield
      }) : () -> ()
    } else {
    }
    %barrier3A = arith.constant 0 : index
    tpu.barrier barrier_id(%barrier3A)
    %eq3A_89 = arith.constant 0 : i32
    %eq3A_90 = arith.cmpi eq, %select_n3A_28, %eq3A_89 : i32
    %convert_element_type3A_91 = arith.extui %eq3A_90 : i1 to i32
    %cond3A_92 = arith.constant 0 : i32
    %cond3A_93 = arith.cmpi ne, %convert_element_type3A_91, %cond3A_92 : i32
    scf.if %cond3A_93 {
      "tpu.region"() ({
        %run_scoped3A = tpu.sem_alloc : memref<!tpu.dma_semaphore, #tpu.memory_space<semaphore_mem>>
        %dma_start3A = arith.constant 0 : i32
        %dma_start3A_129 = tpu.memref_slice %arg17[%select_n3A_7, %dma_start3A] : memref<8x27648xf32, #tpu.memory_space<vmem_shared>> -> memref<1x27648xf32, #tpu.memory_space<vmem_shared>>
        %dma_start3A_130 = tpu.memref_squeeze %dma_start3A_129 : memref<1x27648xf32, #tpu.memory_space<vmem_shared>> -> memref<27648xf32, #tpu.memory_space<vmem_shared>>
        %dma_start3A_131 = arith.constant 0 : i32
        %dma_start3A_132 = tpu.memref_slice %arg17[%select_n3A_7, %dma_start3A_131] : memref<8x27648xf32, #tpu.memory_space<vmem_shared>> -> memref<1x27648xf32, #tpu.memory_space<vmem_shared>>
        %dma_start3A_133 = tpu.memref_squeeze %dma_start3A_132 : memref<1x27648xf32, #tpu.memory_space<vmem_shared>> -> memref<27648xf32, #tpu.memory_space<vmem_shared>>
        tpu.enqueue_dma source(%dma_start3A_133 : memref<27648xf32, #tpu.memory_space<vmem_shared>>) target(%arg14 : memref<27648xf32, #tpu.memory_space<vmem>>) target_semaphore(%run_scoped3A : memref<!tpu.dma_semaphore, #tpu.memory_space<semaphore_mem>>)
        %dma_wait3A = arith.constant 0 : i32
        %dma_wait3A_134 = tpu.memref_slice %arg17[%select_n3A_7, %dma_wait3A] : memref<8x27648xf32, #tpu.memory_space<vmem_shared>> -> memref<1x27648xf32, #tpu.memory_space<vmem_shared>>
        %dma_wait3A_135 = tpu.memref_squeeze %dma_wait3A_134 : memref<1x27648xf32, #tpu.memory_space<vmem_shared>> -> memref<27648xf32, #tpu.memory_space<vmem_shared>>
        %dma_wait3A_136 = arith.constant 0 : i32
        %dma_wait3A_137 = tpu.memref_slice %arg17[%select_n3A_7, %dma_wait3A_136] : memref<8x27648xf32, #tpu.memory_space<vmem_shared>> -> memref<1x27648xf32, #tpu.memory_space<vmem_shared>>
        %dma_wait3A_138 = tpu.memref_squeeze %dma_wait3A_137 : memref<1x27648xf32, #tpu.memory_space<vmem_shared>> -> memref<27648xf32, #tpu.memory_space<vmem_shared>>
        tpu.wait_dma2 semaphore(%run_scoped3A : memref<!tpu.dma_semaphore, #tpu.memory_space<semaphore_mem>>) src(%dma_wait3A_138 : memref<27648xf32, #tpu.memory_space<vmem_shared>>) dst(%arg14 : memref<27648xf32, #tpu.memory_space<vmem>>)
        tpu.yield
      }) : () -> ()
      %get3A = arith.constant 7 : index
      %get3A_94 = tpu.vector_load %arg9[%get3A] {strides = array<i32>} : memref<48xi32, #tpu.memory_space<vmem>>, vector<16xi32>,
      %slice3A = vector.extract_strided_slice %get3A_94 {offsets = [0], sizes = [1], strides = [1]} : vector<16xi32> to vector<1xi32>
      %squeeze3A = vector.extract %slice3A[0] : i32 from vector<1xi32>
      %add3A_95 = arith.constant 1071 : i32
      %add3A_96 = vector.broadcast %add3A_95 : i32 to vector<16xi32>
      %add3A_97 = arith.addi %add3A_96, %iota3A : vector<16xi32>
      %swap3A = arith.constant 0 : index
      %swap3A_98 = tpu.vector_load %arg15[%swap3A] {strides = array<i32>} : memref<80xi32, #tpu.memory_space<vmem>>, vector<16xi32>,
      tpu.vector_store %arg15[%swap3A], %add3A_97 {strides = array<i32>} : memref<80xi32, #tpu.memory_space<vmem>>, vector<16xi32>,
      %add3A_99 = arith.constant 1087 : i32
      %add3A_100 = vector.broadcast %add3A_99 : i32 to vector<16xi32>
      %add3A_101 = arith.addi %add3A_100, %iota3A : vector<16xi32>
      %swap3A_102 = arith.constant 16 : index
      %swap3A_103 = tpu.vector_load %arg15[%swap3A_102] {strides = array<i32>} : memref<80xi32, #tpu.memory_space<vmem>>, vector<16xi32>,
      tpu.vector_store %arg15[%swap3A_102], %add3A_101 {strides = array<i32>} : memref<80xi32, #tpu.memory_space<vmem>>, vector<16xi32>,
      %add3A_104 = arith.constant 1103 : i32
      %add3A_105 = vector.broadcast %add3A_104 : i32 to vector<16xi32>
      %add3A_106 = arith.addi %add3A_105, %iota3A : vector<16xi32>
      %swap3A_107 = arith.constant 32 : index
      %swap3A_108 = tpu.vector_load %arg15[%swap3A_107] {strides = array<i32>} : memref<80xi32, #tpu.memory_space<vmem>>, vector<16xi32>,
      tpu.vector_store %arg15[%swap3A_107], %add3A_106 {strides = array<i32>} : memref<80xi32, #tpu.memory_space<vmem>>, vector<16xi32>,
      %add3A_109 = arith.constant 1119 : i32
      %add3A_110 = vector.broadcast %add3A_109 : i32 to vector<16xi32>
      %add3A_111 = arith.addi %add3A_110, %iota3A : vector<16xi32>
      %swap3A_112 = arith.constant 48 : index
      %swap3A_113 = tpu.vector_load %arg15[%swap3A_112] {strides = array<i32>} : memref<80xi32, #tpu.memory_space<vmem>>, vector<16xi32>,
      tpu.vector_store %arg15[%swap3A_112], %add3A_111 {strides = array<i32>} : memref<80xi32, #tpu.memory_space<vmem>>, vector<16xi32>,
      %add3A_114 = arith.constant 1135 : i32
      %add3A_115 = vector.broadcast %add3A_114 : i32 to vector<16xi32>
      %add3A_116 = arith.addi %add3A_115, %iota3A : vector<16xi32>
      %swap3A_117 = arith.constant 64 : index
      %swap3A_118 = tpu.vector_load %arg15[%swap3A_117] {strides = array<i32>} : memref<80xi32, #tpu.memory_space<vmem>>, vector<16xi32>,
      tpu.vector_store %arg15[%swap3A_117], %add3A_116 {strides = array<i32>} : memref<80xi32, #tpu.memory_space<vmem>>, vector<16xi32>,
      %scan3A_119 = arith.constant 0 : i32
      %scan3A_120 = arith.constant 0 : i32
      %scan3A_121 = arith.constant 8 : i32
      %scan3A_122 = arith.addi %scan3A_120, %scan3A_121 : i32
      %scan3A_123 = arith.constant 1 : i32
      scf.for %scan3A_129 = %scan3A_120 to %scan3A_122 step %scan3A_123  : i32 {
        %scan3A_130 = arith.constant 0 : i32
        %scan3A_131 = arith.constant 0 : i32
        %scan3A_132 = arith.constant 17 : i32
        %scan3A_133 = arith.addi %scan3A_131, %scan3A_132 : i32
        %scan3A_134 = arith.constant 1 : i32
        scf.for %scan3A_142 = %scan3A_131 to %scan3A_133 step %scan3A_134  : i32 {
          %eq3A_143 = arith.constant 8 : i32
          %eq3A_144 = arith.cmpi eq, %scan3A_142, %eq3A_143 : i32
          %jit3A_145 = arith.constant 1 : i32
          %jit3A_146 = arith.constant 0 : i32
          %select_n3A_147 = arith.select %eq3A_144, %jit3A_145, %jit3A_146 : i32
          %lt3A_148 = arith.constant 8 : i32
          %lt3A_149 = arith.cmpi slt, %scan3A_142, %lt3A_148 : i32
          %jit3A_150 = arith.constant 1.000000e+00 : f32
          %jit3A_151 = arith.constant -1.000000e+00 : f32
          %select_n3A_152 = arith.select %lt3A_149, %jit3A_150, %jit3A_151 : f32
          %mul3A_153 = arith.constant 64 : i32
          %mul3A_154 = arith.muli %scan3A_142, %mul3A_153 : i32
          %broadcast_in_dim3A = arith.constant 0x7F800000 : f32
          %broadcast_in_dim3A_155 = vector.broadcast %broadcast_in_dim3A : f32 to vector<16xf32>
          %broadcast_in_dim3A_156 = arith.constant 0 : i32
          %broadcast_in_dim3A_157 = vector.broadcast %broadcast_in_dim3A_156 : i32 to vector<16xi32>
          %scan3A_158 = arith.constant 0 : i32
          %scan3A_159 = arith.constant 4 : i32
          %scan3A_160 = arith.addi %scan3A_158, %scan3A_159 : i32
          %scan3A_161 = arith.constant 1 : i32
          %scan3A_162:2 = scf.for %scan3A_185 = %scan3A_158 to %scan3A_160 step %scan3A_161 iter_args(%scan3A_186 = %broadcast_in_dim3A_155, %scan3A_187 = %broadcast_in_dim3A_157) -> (vector<16xf32>, vector<16xi32>)  : i32 {
            %mul3A_188 = arith.constant 16 : i32
            %mul3A_189 = arith.muli %scan3A_185, %mul3A_188 : i32
            %add3A_190 = arith.addi %mul3A_154, %mul3A_189 : i32
            %add3A_191 = vector.broadcast %add3A_190 : i32 to vector<16xi32>
            %add3A_192 = arith.addi %add3A_191, %iota3A : vector<16xi32>
            %gather3A = tpu.vector_load_idx %arg8[%add3A_192] : memref<1152xi32, #tpu.memory_space<vmem>>[vector<16xi32>], vector<16xi32>,
            %mul3A_193 = arith.constant 24 : i32
            %mul3A_194 = vector.broadcast %mul3A_193 : i32 to vector<16xi32>
            %mul3A_195 = arith.muli %gather3A, %mul3A_194 : vector<16xi32>
            %mul3A_196 = arith.constant 8 : i32
            %mul3A_197 = arith.muli %select_n3A_147, %mul3A_196 : i32
            %add3A_198 = vector.broadcast %mul3A_197 : i32 to vector<16xi32>
            %add3A_199 = arith.addi %mul3A_195, %add3A_198 : vector<16xi32>
            %add3A_200 = vector.broadcast %scan3A_129 : i32 to vector<16xi32>
            %add3A_201 = arith.addi %add3A_199, %add3A_200 : vector<16xi32>
            %gather3A_202 = tpu.vector_load_idx %arg13[%add3A_201] : memref<27648xf32, #tpu.memory_space<vmem>>[vector<16xi32>], vector<16xf32>,
            %gather3A_203 = tpu.vector_load_idx %arg14[%add3A_201] : memref<27648xf32, #tpu.memory_space<vmem>>[vector<16xi32>], vector<16xf32>,
            %lt3A_204 = vector.broadcast %squeeze3A : i32 to vector<16xi32>
            %lt3A_205 = arith.cmpi slt, %gather3A, %lt3A_204 : vector<16xi32>
            %select_n3A_206 = arith.select %lt3A_205, %gather3A_202, %gather3A_203 : vector<16xi1>, vector<16xf32>
            %mul3A_207 = vector.broadcast %select_n3A_152 : f32 to vector<16xf32>
            %mul3A_208 = arith.mulf %select_n3A_206, %mul3A_207 : vector<16xf32>
            %lt3A_209 = arith.cmpf olt, %mul3A_208, %scan3A_186 : vector<16xf32>
            %select_n3A_210 = arith.select %lt3A_209, %mul3A_208, %scan3A_186 : vector<16xi1>, vector<16xf32>
            %select_n3A_211 = arith.select %lt3A_209, %add3A_192, %scan3A_187 : vector<16xi1>, vector<16xi32>
            scf.yield %select_n3A_210, %select_n3A_211 : vector<16xf32>, vector<16xi32>
          }
          %scan3A_163 = arith.constant 4 : i32
          %reduce_min3A = arith.constant true
          %reduce_min3A_164 = vector.broadcast %reduce_min3A : i1 to vector<16xi1>
          %reduce_min3A_165 = tpu.scan <min>, %scan3A_162#0 masked %reduce_min3A_164 : vector<16xf32>, vector<16xi1> -> vector<16xf32>
          %reduce_min3A_166 = vector.extract %reduce_min3A_165[15] : f32 from vector<16xf32>
          %eq3A_167 = vector.broadcast %reduce_min3A_166 : f32 to vector<16xf32>
          %eq3A_168 = arith.cmpf oeq, %scan3A_162#0, %eq3A_167 : vector<16xf32>
          %jit3A_169 = arith.constant 1073741824 : i32
          %broadcast_in_dim3A_170 = vector.broadcast %jit3A_169 : i32 to vector<16xi32>
          %select_n3A_171 = arith.select %eq3A_168, %scan3A_162#1, %broadcast_in_dim3A_170 : vector<16xi1>, vector<16xi32>
          %reduce_min3A_172 = arith.constant true
          %reduce_min3A_173 = vector.broadcast %reduce_min3A_172 : i1 to vector<16xi1>
          %reduce_min3A_174 = arith.constant -2147483648 : i32
          %reduce_min3A_175 = vector.broadcast %reduce_min3A_174 : i32 to vector<16xi32>
          %reduce_min3A_176 = arith.xori %select_n3A_171, %reduce_min3A_175 : vector<16xi32>
          %reduce_min3A_177 = tpu.scan <min>, %reduce_min3A_176 masked %reduce_min3A_173 : vector<16xi32>, vector<16xi1> -> vector<16xi32>
          %reduce_min3A_178 = arith.xori %reduce_min3A_177, %reduce_min3A_175 : vector<16xi32>
          %reduce_min3A_179 = vector.extract %reduce_min3A_178[15] : i32 from vector<16xi32>
          %broadcast_in_dim3A_180 = vector.broadcast %scan3A_142 : i32 to vector<16xi32>
          %broadcast_in_dim3A_181 = vector.broadcast %reduce_min3A_179 : i32 to vector<16xi32>
          %eq3A_182 = arith.constant 0 : i32
          %eq3A_183 = vector.broadcast %eq3A_182 : i32 to vector<16xi32>
          %eq3A_184 = arith.cmpi eq, %iota3A, %eq3A_183 : vector<16xi32>
          tpu.vector_store_idx %arg15[%broadcast_in_dim3A_180], %broadcast_in_dim3A_181 masked %eq3A_184 : memref<80xi32, #tpu.memory_space<vmem>>[vector<16xi32>], vector<16xi32>, vector<16xi1>
        }
        %scan3A_135 = arith.constant 17 : i32
        %scan3A_136 = arith.constant 0 : i32
        %scan3A_137 = arith.constant 0 : i32
        %scan3A_138 = arith.constant 13 : i32
        %scan3A_139 = arith.addi %scan3A_137, %scan3A_138 : i32
        %scan3A_140 = arith.constant 1 : i32
        scf.for %scan3A_142 = %scan3A_137 to %scan3A_139 step %scan3A_140  : i32 {
          %mul3A_143 = arith.constant 16 : i32
          %mul3A_144 = arith.muli %scan3A_142, %mul3A_143 : i32
          %add3A_145 = vector.broadcast %mul3A_144 : i32 to vector<16xi32>
          %add3A_146 = arith.addi %add3A_145, %iota3A : vector<16xi32>
          %jit3A_147 = arith.constant 3 : i32
          %div3A_148 = vector.broadcast %jit3A_147 : i32 to vector<16xi32>
          %div3A_149 = arith.divsi %add3A_146, %div3A_148 : vector<16xi32>
          %sign3A_150 = arith.constant 0 : i32
          %sign3A_151 = vector.broadcast %sign3A_150 : i32 to vector<16xi32>
          %sign3A_152 = arith.cmpi sgt, %add3A_146, %sign3A_151 : vector<16xi32>
          %sign3A_153 = arith.extui %sign3A_152 : vector<16xi1> to vector<16xi32>
          %sign3A_154 = arith.constant 0 : i32
          %sign3A_155 = vector.broadcast %sign3A_154 : i32 to vector<16xi32>
          %sign3A_156 = arith.cmpi slt, %add3A_146, %sign3A_155 : vector<16xi32>
          %sign3A_157 = arith.extui %sign3A_156 : vector<16xi1> to vector<16xi32>
          %sign3A_158 = arith.subi %sign3A_153, %sign3A_157 : vector<16xi32>
          %sign3A_159 = arith.constant 0 : i32
          %sign3A_160 = arith.cmpi sgt, %jit3A_147, %sign3A_159 : i32
          %sign3A_161 = arith.extui %sign3A_160 : i1 to i32
          %sign3A_162 = arith.constant 0 : i32
          %sign3A_163 = arith.cmpi slt, %jit3A_147, %sign3A_162 : i32
          %sign3A_164 = arith.extui %sign3A_163 : i1 to i32
          %sign3A_165 = arith.subi %sign3A_161, %sign3A_164 : i32
          %ne3A_166 = vector.broadcast %sign3A_165 : i32 to vector<16xi32>
          %ne3A_167 = arith.cmpi ne, %sign3A_158, %ne3A_166 : vector<16xi32>
          %rem3A_168 = vector.broadcast %jit3A_147 : i32 to vector<16xi32>
          %rem3A_169 = arith.remsi %add3A_146, %rem3A_168 : vector<16xi32>
          %ne3A_170 = arith.constant 0 : i32
          %ne3A_171 = vector.broadcast %ne3A_170 : i32 to vector<16xi32>
          %ne3A_172 = arith.cmpi ne, %rem3A_169, %ne3A_171 : vector<16xi32>
          %and3A_173 = arith.andi %ne3A_167, %ne3A_172 : vector<16xi1>
          %sub3A_174 = arith.constant 1 : i32
          %sub3A_175 = vector.broadcast %sub3A_174 : i32 to vector<16xi32>
          %sub3A_176 = arith.subi %div3A_149, %sub3A_175 : vector<16xi32>
          %select_n3A_177 = arith.select %and3A_173, %sub3A_176, %div3A_149 : vector<16xi1>, vector<16xi32>
          %mul3A_178 = arith.constant 3 : i32
          %mul3A_179 = vector.broadcast %mul3A_178 : i32 to vector<16xi32>
          %mul3A_180 = arith.muli %select_n3A_177, %mul3A_179 : vector<16xi32>
          %sub3A_181 = arith.subi %add3A_146, %mul3A_180 : vector<16xi32>
          %gather3A = tpu.vector_load_idx %arg15[%select_n3A_177] : memref<80xi32, #tpu.memory_space<vmem>>[vector<16xi32>], vector<16xi32>,
          %gather3A_182 = tpu.vector_load_idx %arg8[%gather3A] : memref<1152xi32, #tpu.memory_space<vmem>>[vector<16xi32>], vector<16xi32>,
          %mul3A_183 = arith.constant 24 : i32
          %mul3A_184 = vector.broadcast %mul3A_183 : i32 to vector<16xi32>
          %mul3A_185 = arith.muli %gather3A_182, %mul3A_184 : vector<16xi32>
          %mul3A_186 = arith.constant 8 : i32
          %mul3A_187 = vector.broadcast %mul3A_186 : i32 to vector<16xi32>
          %mul3A_188 = arith.muli %sub3A_181, %mul3A_187 : vector<16xi32>
          %add3A_189 = arith.addi %mul3A_185, %mul3A_188 : vector<16xi32>
          %add3A_190 = vector.broadcast %scan3A_129 : i32 to vector<16xi32>
          %add3A_191 = arith.addi %add3A_189, %add3A_190 : vector<16xi32>
          %gather3A_192 = tpu.vector_load_idx %arg13[%add3A_191] : memref<27648xf32, #tpu.memory_space<vmem>>[vector<16xi32>], vector<16xf32>,
          %gather3A_193 = tpu.vector_load_idx %arg14[%add3A_191] : memref<27648xf32, #tpu.memory_space<vmem>>[vector<16xi32>], vector<16xf32>,
          %lt3A_194 = vector.broadcast %squeeze3A : i32 to vector<16xi32>
          %lt3A_195 = arith.cmpi slt, %gather3A_182, %lt3A_194 : vector<16xi32>
          %select_n3A_196 = arith.select %lt3A_195, %gather3A_192, %gather3A_193 : vector<16xi1>, vector<16xf32>
          %mul3A_197 = arith.constant 204 : i32
          %mul3A_198 = arith.muli %scan3A_129, %mul3A_197 : i32
          %add3A_199 = vector.broadcast %mul3A_198 : i32 to vector<16xi32>
          %add3A_200 = arith.addi %add3A_199, %add3A_146 : vector<16xi32>
          tpu.vector_store_idx %arg16[%add3A_200], %select_n3A_196 : memref<1664xf32, #tpu.memory_space<vmem>>[vector<16xi32>], vector<16xf32>,
        }
        %scan3A_141 = arith.constant 13 : i32
      }
      %scan3A_124 = arith.constant 8 : i32
      %mul3A_125 = arith.constant 8 : i32
      %mul3A_126 = arith.muli %add3A_30, %mul3A_125 : i32
      %mul3A_127 = arith.constant 204 : i32
      %mul3A_128 = arith.muli %mul3A_126, %mul3A_127 : i32
      "tpu.region"() ({
        %run_scoped3A = tpu.sem_alloc : memref<!tpu.dma_semaphore, #tpu.memory_space<semaphore_mem>>
        %dma_start3A = arith.constant 0 : i32
        %dma_start3A_129 = tpu.memref_slice %arg16[%dma_start3A] : memref<1664xf32, #tpu.memory_space<vmem>> -> memref<1632xf32, #tpu.memory_space<vmem>>
        %dma_start3A_130 = tpu.memref_slice %arg6[%mul3A_128] : memref<26112xf32, #tpu.memory_space<hbm>> -> memref<1632xf32, #tpu.memory_space<hbm>>
        %dma_start3A_131 = tpu.memref_slice %arg6[%mul3A_128] : memref<26112xf32, #tpu.memory_space<hbm>> -> memref<1632xf32, #tpu.memory_space<hbm>>
        %dma_start3A_132 = arith.constant 0 : i32
        %dma_start3A_133 = tpu.memref_slice %arg16[%dma_start3A_132] : memref<1664xf32, #tpu.memory_space<vmem>> -> memref<1632xf32, #tpu.memory_space<vmem>>
        tpu.enqueue_dma source(%dma_start3A_133 : memref<1632xf32, #tpu.memory_space<vmem>>) target(%dma_start3A_131 : memref<1632xf32, #tpu.memory_space<hbm>>) target_semaphore(%run_scoped3A : memref<!tpu.dma_semaphore, #tpu.memory_space<semaphore_mem>>)
        %dma_wait3A = arith.constant 0 : i32
        %dma_wait3A_134 = tpu.memref_slice %arg16[%dma_wait3A] : memref<1664xf32, #tpu.memory_space<vmem>> -> memref<1632xf32, #tpu.memory_space<vmem>>
        %dma_wait3A_135 = tpu.memref_slice %arg6[%mul3A_128] : memref<26112xf32, #tpu.memory_space<hbm>> -> memref<1632xf32, #tpu.memory_space<hbm>>
        %dma_wait3A_136 = tpu.memref_slice %arg6[%mul3A_128] : memref<26112xf32, #tpu.memory_space<hbm>> -> memref<1632xf32, #tpu.memory_space<hbm>>
        %dma_wait3A_137 = arith.constant 0 : i32
        %dma_wait3A_138 = tpu.memref_slice %arg16[%dma_wait3A_137] : memref<1664xf32, #tpu.memory_space<vmem>> -> memref<1632xf32, #tpu.memory_space<vmem>>
        tpu.wait_dma2 semaphore(%run_scoped3A : memref<!tpu.dma_semaphore, #tpu.memory_space<semaphore_mem>>) src(%dma_wait3A_138 : memref<1632xf32, #tpu.memory_space<vmem>>) dst(%dma_wait3A_136 : memref<1632xf32, #tpu.memory_space<hbm>>)
        tpu.yield
      }) : () -> ()
    } else {
    }
    return
  }
}

</mosaic_0001>

<sc_bundles>
// kernel: kernel.3.cloned.1.call-start
scs
__scs_entry_jumppad:
0x0: {  	(pc) =	sbr.rel $0x88, $3  }
0x1: {  	(tag) =	ssettag $0x0;
	lr =	simm.s32 $0x1  }
0x2: {  	[smem:$0x3F9E] =	sst lr;
	_ =	strace $0xD0000000  }
0x3: {  	_ = 	snop  }
0x4: {  	_ = 	snop  }
0x5: {  	_ = 	snop  }
0x6: {  	_ = 	snop  }
0x7: {  	_ = 	snop  }
__scs_overlays_trampoline_lowered:
0x8: {  	[smem:$0x3FAD] =	sst s0  }
0x9: {  	[smem:$0x3FAE] =	sst s1  }
0xa: {  	[smem:$0x3FAF] =	sst s2  }
0xb: {  	[smem:$0x3FB0] =	sst s3  }
0xc: {  	[smem:$0x3FB1] =	sst s4  }
0xd: {  	[smem:$0x3FB2] =	sst s5  }
0xe: {  	[smem:$0x3FB3] =	sst s6  }
0xf: {  	[smem:$0x3FB4] =	sst s7  }
0x10: {  	[smem:$0x3FB5] =	sst s8  }
0x11: {  	[smem:$0x3FB6] =	sst s9;
	s0 =	simm.s32 @!p0 $0x0  }
0x12: {  	s1 =	sld [smem:$0x3F9C];
	s0 =	simm.s32 @p0 $0x1  }
0x13: {  	[smem:$0x3FB7] =	sst s0;
	s0 =	simm.s32 @!p1 $0x0  }
0x14: {  	s2 =	sld [smem:$0x3F9B];
	s0 =	simm.s32 @p1 $0x1  }
0x15: {  	[smem:$0x3FB8] =	sst s0;
	s0 =	simm.s32 @!p2 $0x0  }
0x16: {  	s3 =	sld [smem:$0x3FDB];
	s0 =	simm.s32 @p2 $0x1  }
0x17: {  	s4 =	simm.s32 $0x1BF5;
	[smem:$0x3FBA] =	sst s0  }
0x18: {  	s0 =	sld [smem:$0x3F9D];
	_ =	swait.ge [sflag:s4], $0x0  }
0x19: {  	s7 =	sld [smem:$0x3F9E]  }
0x1a: {  	s8 =	sadd.s32 $0xFFFFE003, lr  }
0x1b: {  	s9 =	sadd.s32 $0xFFFFFEF7, lr;
	s5 =	simm.s32 $0xFFFFFFFF;
	p2 =	slt.u32 s8, $0xFFFFF086  }
0x1c: {  	p1 =	slt.u32 s9, $0xF7A;
	s5 =	simm.s32 @!p2 $0x0  }
0x1d: {  	s5 =	simm.s32 @p1 $0x1;
	p0 =	seq.s32 s7, s2  }
0x1e: {  	s7 =	smul.u32 @!p0 $0xF7A, s2;
	p2 =	seq.s32 @!p0 s5, $0x0  }
0x1f: {  	s9 =	smul.u32 $0xF7A, s1;
	s8 =	simm.s32 @!p0 $0x1BF5;
	p2 =	por !p2, p0  }
0x20: {  	[sflag:s8] =	ssyncset.s32 @!p0 $0xFFFFF086;
	s6 =	sadd.s32 @!p0 s3, s7;
	s7 =	simm.s32 @!p0 $0x108  }
0x21: {  	s3 =	sadd.s32 s3, s9;
	s6 =	sadd.s32 @!p0 $0x88, s6;
	s7 =	simm.s32 @p2 $0x1082  }
0x22: {  	[simem:s7], [sflag:s8] =	dma.local @!p0 [hbm:s6], $0xF7A  }
0x23: {  	s9 =	sor.u32 $0xD0000000, s2;
	s6 =	simm.s32 $0x108;
	_ =	swait.ge @!p0 [sflag:s8], $0x0  }
0x24: {  	s3 =	sadd.s32 $0x88, s3;
	s6 =	simm.s32 @!p1 $0x1082;
	[sflag:s4] =	ssyncset.s32 $0xFFFFF086  }
0x25: {  	[simem:s6], [sflag:s4] =	dma.local [hbm:s3], $0xF7A  }
0x26: {  	[smem:$0x3F9E] =	sst s1;
	(tag) =	ssettag s2;
	_ =	strace s9  }
0x27: {  	s1 =	sld [smem:$0x3FAE]  }
0x28: {  	s2 =	sld [smem:$0x3FAF]  }
0x29: {  	s4 =	sld [smem:$0x3FB1]  }
0x2a: {  	p0 =	seq.s32 s5, $0x0;
	s5 =	sld [smem:$0x3FB2]  }
0x2b: {  	s6 =	sld [smem:$0x3FB3]  }
0x2c: {  	s7 =	sld [smem:$0x3FB4]  }
0x2d: {  	s3 =	simm.s32 $0x108;
	s8 =	sld [smem:$0x3FB5]  }
0x2e: {  	s3 =	simm.s32 @!p0 $0x1082;
	s9 =	sld [smem:$0x3FB6]  }
0x2f: {  	lr =	sadd.s32 s0, s3;
	s0 =	sld [smem:$0x3FAD]  }
0x30: {  	s3 =	sld [smem:$0x3FB0]  }
0x31: {  	[smem:$0x3FB9] =	sst s10  }
0x32: {  	s10 =	sld [smem:$0x3FB7];
	_ =	sdelay $0x3  }
0x33: {  	p0 =	seq.s32 s10, $0x1;
	s10 =	sld [smem:$0x3FB9];
	_ =	sdelay $0x3  }
0x34: {  	[smem:$0x3FB9] =	sst s10  }
0x35: {  	s10 =	sld [smem:$0x3FB8];
	_ =	sdelay $0x3  }
0x36: {  	p1 =	seq.s32 s10, $0x1;
	s10 =	sld [smem:$0x3FB9];
	_ =	sdelay $0x3  }
0x37: {  	[smem:$0x3FB9] =	sst s10  }
0x38: {  	s10 =	sld [smem:$0x3FBA]  }
0x39: {  	_ = 	snop;
	(pc) =	sbr.ind lr, $3  }
0x3a: {  	_ = 	snop  }
0x3b: {  	_ = 	snop  }
0x3c: {  	p2 =	seq.s32 s10, $0x1;
	s10 =	sld [smem:$0x3FB9]  }
0x3d: {  	_ =	shalt  }
0x3e: {  	_ =	shalt  }
0x3f: {  	_ =	shalt  }
0x40: {  	_ =	shalt  }
0x41: {  	_ =	shalt  }
0x42: {  	_ =	shalt  }
0x43: {  	_ =	shalt  }
0x44: {  	_ =	shalt  }
0x45: {  	_ =	shalt  }
0x46: {  	_ =	shalt  }
0x47: {  	_ =	shalt  }
0x48: {  	_ =	shalt  }
0x49: {  	_ =	shalt  }
0x4a: {  	_ =	shalt  }
0x4b: {  	_ =	shalt  }
0x4c: {  	_ =	shalt  }
0x4d: {  	_ =	shalt  }
0x4e: {  	_ =	shalt  }
0x4f: {  	_ =	shalt  }
0x50: {  	_ =	shalt  }
0x51: {  	_ =	shalt  }
0x52: {  	_ =	shalt  }
0x53: {  	_ =	shalt  }
0x54: {  	_ =	shalt  }
0x55: {  	_ =	shalt  }
0x56: {  	_ =	shalt  }
0x57: {  	_ =	shalt  }
0x58: {  	_ =	shalt  }
0x59: {  	_ =	shalt  }
0x5a: {  	_ =	shalt  }
0x5b: {  	_ =	shalt  }
0x5c: {  	_ =	shalt  }
0x5d: {  	_ =	shalt  }
0x5e: {  	_ =	shalt  }
0x5f: {  	_ =	shalt  }
0x60: {  	_ =	shalt  }
0x61: {  	_ =	shalt  }
0x62: {  	_ =	shalt  }
0x63: {  	_ =	shalt  }
0x64: {  	_ =	shalt  }
0x65: {  	_ =	shalt  }
0x66: {  	_ =	shalt  }
0x67: {  	_ =	shalt  }
0x68: {  	_ =	shalt  }
0x69: {  	_ =	shalt  }
0x6a: {  	_ =	shalt  }
0x6b: {  	_ =	shalt  }
0x6c: {  	_ =	shalt  }
0x6d: {  	_ =	shalt  }
0x6e: {  	_ =	shalt  }
0x6f: {  	_ =	shalt  }
0x70: {  	_ =	shalt  }
0x71: {  	_ =	shalt  }
0x72: {  	_ =	shalt  }
0x73: {  	_ =	shalt  }
0x74: {  	_ =	shalt  }
0x75: {  	_ =	shalt  }
0x76: {  	_ =	shalt  }
0x77: {  	_ =	shalt  }
0x78: {  	_ =	shalt  }
0x79: {  	_ =	shalt  }
0x7a: {  	_ =	shalt  }
0x7b: {  	_ =	shalt  }
0x7c: {  	_ =	shalt  }
0x7d: {  	_ =	shalt  }
0x7e: {  	_ =	shalt  }
0x7f: {  	_ =	shalt  }
0x80: {  	_ =	shalt  }
0x81: {  	_ =	shalt  }
0x82: {  	_ =	shalt  }
0x83: {  	_ =	shalt  }
0x84: {  	_ =	shalt  }
0x85: {  	_ =	shalt  }
0x86: {  	_ =	shalt  }
0x87: {  	_ =	shalt  }
.Lfunc_end0:
.L_simem_size_0:
called_computation_lowered:
.L_overlay_start_0:
0x88: {  	s2 =	sld [smem:$0x3FD9]  }
0x89: {  	s3 =	sld [smem:$0x3FFE];
	_ =	sdelay $0x1  }
0x8a: {  	s1 =	srdreg.scid  }
0x8b: {  	s0 =	sand.u32 $0x1, s1  }
0x8c: {  	s17 =	sshll.u32 s0, $0xA;
	s2 =	sadd.s32 s3, s2  }
0x8d: {  	s2 =	sadd.s32 s2, s17  }
0x8e: {  	[smem:$0x3FC5] =	sst s2  }
0x8f: {  	_ = 	snop  }
0x90: {  	s2 =	sld [smem:$0x3FC9]  }
0x91: {  	s18 =	sld [smem:$0x3FD0];
	(tm) =	ssettm $0x1  }
0x92: {  	s4 =	sld [smem:$0x3FFB];
	_ =	sdelay $0x3  }
0x93: {  	_ =	strace s4  }
0x94: {  	s4 =	sld [smem:$0x3FFC];
	_ =	sdelay $0x3  }
0x95: {  	_ =	strace s4  }
0x96: {  	s4 =	sld [smem:$0x3FFD];
	_ =	sdelay $0x3  }
0x97: {  	_ =	strace s4  }
0x98: {  	_ =	strace $0x8FFFFFFF  }
0x99: {  	s19 =	sld [smem:$0x3FDB];
	_ =	sdelay $0x1  }
0x9a: {  	s5 =	simm.s32 $_scs_section_size  }
0x9b: {  	s6 =	simm.s32 $_size__tile_overlayer_lowered;
	s7 =	simm.s32 $_tile_overlayer_lowered  }
0x9c: {  	s22 =	simm.s32 $0x1BFF;
	s21 =	sshll.u32 s7, $0x1;
	s4 =	sadd.s32 s5, s19  }
0x9d: {  	s8 =	simm.s32 $0x0;
	s20 =	sshll.u32 s6, $0x1;
	s6 =	sadd.s32 s21, s4  }
0x9e: {  	[timem:s8], [sflag:s22] =	dma.local [hbm:s6], s20  }
0x9f: {  	_ =	swait.ge [sflag:s22], s20  }
0xa0: {  	s5 =	ssub.s32 $0x0, s20;
	[sflag:s22] =	ssyncset.done $0x0  }
0xa1: {  	[sflag:s22] =	ssyncadd.s32 s5;
	_ =	sdelay $0x1  }
0xa2: {  	s23 =	simm.s32 $0x1B8B  }
0xa3: {  	_ =	swait.ge [sflag:s23], $0x1  }
0xa4: {  	[sflag:s23] =	ssyncset.done $0x0  }
0xa5: {  	s25 =	simm.s32 $0x1B8E;
	s24 =	sld [smem:$0x3FFE];
	[sflag:s23] =	ssyncadd.s32 $0xFFFFFFFF  }
0xa6: {  	s26 =	simm.s32 $execute0_lowered;
	[smem:$0x3FD2] =	sst s25  }
0xa7: {  	s6 =	sshll.u32 s26, $0x1;
	_ =	strace $0x80000046;
	[dreg:$0x1] =	wrdreg $0xFFFFFFFF  }
0xa8: {  	s28 =	simm.s32 $_size_execute0_lowered;
	s4 =	sadd.s32 s4, s6;
	[dreg:$0x0] =	wrdreg $0x0  }
0xa9: {  	s6 =	sshll.u32 s28, $0x1;
	[dreg:$0x2] =	wrdreg s4  }
0xaa: {  	[dreg:$0x3] =	wrdreg s6  }
0xab: {  	[dreg:$0x4] =	wrdreg $0xC0  }
0xac: {  	_ =	task [dreg:s8], $0x5FFFF  }
0xad: {  	[dreg:$0x1] =	wrdreg $0xFFFFFFFF  }
0xae: {  	[dreg:$0x0] =	wrdreg $0x60  }
0xaf: {  	[dreg:$0x2] =	wrdreg s2  }
0xb0: {  	[dreg:$0x3] =	wrdreg s24  }
0xb1: {  	[dreg:$0x4] =	wrdreg s18  }
0xb2: {  	[dreg:$0x5] =	wrdreg $0x1B5000  }
0xb3: {  	[dreg:$0x6] =	wrdreg $0x9  }
0xb4: {  	_ =	task.clear_ibuf [dreg:s8], $0x7FFFF;
	_ =	strace $0x90000046  }
0xb5: {  	s29 =	simm.s32 $0x9;
	_ =	strace $0x80000048  }
0xb6: {  	_ =	swait.ge [sflag:s29], $0x1  }
0xb7: {  	[sflag:s29] =	ssyncadd.s32 $0xFFFFFFFF  }
0xb8: {  	_ =	strace $0x90000048  }
0xb9: {  	_ =	sfence  }
0xba: {  	s30 =	sld [smem:$0x0];
	_ =	sdelay $0x2  }
0xbb: {  	s31 =	sshll.u32 s1, $0xD;
	s1 =	sshrl.u32 s1, $0x2  }
0xbc: {  	s3 =	sand.u32 $0x4000, s31;
	s1 =	sadd.s32 s1, s30  }
0xbd: {  	s0 =	sor.u32 s3, s0;
	s1 =	sshll.u32 s1, $0x11  }
0xbe: {  	s0 =	sor.u32 s1, s0  }
0xbf: {  	s0 =	sadd.s32 $0x8F2B, s0  }
0xc0: {  	[sflag:s0] =	ssyncadd.remote.s32 $0x1  }
0xc1: {  	_ =	sfence.sel $0xFFFF  }
0xc2: {  	[dreg:$0x0] =	wrdreg $0xFFFFFFFF;
	(pc) =	sbr.abs _section_cstart, $3  }
0xc3: {  	[dreg:$0x1] =	wrdreg $0xFFFFFFFF  }
0xc4: {  	_ =	task.clear_ibuf [dreg:s8], $0x2FFFF;
	_ =	strace $0x9FFFFFFF  }
0xc5: {  	(tm) =	ssettm $0x7FFFFFFF  }
tec
execute0_lowered:
.L_overlay_start_1:
0x0: {  	(tag) =	ssettag $0x1  }
0x1: {  	s1 =	rddreg [dreg:$0x0]  }
0x2: {  	s0 =	srdreg.scid;
	s2 =	rddreg [dreg:$0x1]  }
0x3: {  	s13 =	stileid.u32;
	s3 =	rddreg [dreg:$0x2]  }
0x4: {  	s10 =	rddreg [dreg:$0x3];
	s5 =	simm.s32 $0x0;
	s16 =	simm.s32 $0x3  }
0x5: {  	s17 =	simm.s32 $0x500;
	s19 =	simm.s32 $0xA00;
	s20 =	simm.s32 $0x1  }
0x6: {  	s21 =	simm.s32 $0xD600;
	s22 =	simm.s32 $0x5600;
	s28 =	simm.s32 $0x1AE80  }
0x7: {  	s29 =	simm.s32 $0xA200;
	s30 =	simm.s32 $0x0;
	s0 =	sand.u32 $0x1, s0  }
0x8: {  	s9 =	sand.u32 $0x7, s13;
	[smem:$0x7FF] =	sst s5;
	s7 =	sadd.s32 $0x200, s2  }
0x9: {  	s31 =	sshll.u32 s13, $0x7;
	p0 =	slt.u32 s13, $0x8;
	s4 =	sshll.u32 s0, $0x3  }
0xa: {  	_ =	strace $0x80000047;
	s4 =	sor.u32 s9, s4;
	s9 =	sshll.u32 s9, $0x7  }
0xb: {  	s0 =	ssub.s32 $0x2, s0;
	s6 =	smul.u32 $0x45C00, s4;
	s9 =	sadd.s32 s9, s10  }
0xc: {  	s26 =	smul.u32 $0xCC, s4;
	[dreg:$0x8] =	wrdreg s9;
	s9 =	sadd.s32 s31, s10  }
0xd: {  	s11 =	sshrl.u32 s0, $0x1;
	s8 =	sshrl.u32 s6, $0x3;
	[dreg:$0x9] =	wrdreg s9  }
.Ltmp0:
0xe: {  	v0 =	vlaneseq.u32;
	s3 =	sadd.s32 s3, s26;
	s12 =	sadd.s32 s1, s8;
	(pc) =	sbr.rel .LBB2_1-.Ltmp0, $4  }
0xf: {  	v9 =	vimm.s32 $0x0;
	v1 =	vand.u32 $0x7, v0;
	v2 =	vshrl.u32 v0, $0x3;
	s0 =	ssub.s32 s0, s11;
	[dreg:$0xa] =	wrdreg s3;
	s24 =	sadd.s32 $0x8500, s12  }
0x10: {  	v4 =	vadd.s32 $0x42F, v0;
	v5 =	vadd.s32 $0x43F, v0;
	v3 =	vmul.u32 $0x80, v1;
	s15 =	smax.u32 s0, $0x1;
	s25 =	sadd.s32 $0x93D00, s12;
	[dreg:$0x5] =	wrdreg s24  }
0x11: {  	v6 =	vadd.s32 $0x44F, v0;
	v7 =	vadd.s32 $0x45F, v0;
	v8 =	vadd.s32 $0x46F, v0;
	s26 =	simm.s32 $0x1AE00;
	s12 =	sadd.s32 $0x11F500, s12;
	[dreg:$0x6] =	wrdreg s25  }
0x12: {  	v11 =	vor.u32 $0x8, v0;
	v12 =	vor.u32 $0x10, v1;
	v10 =	vor.u32 $0xFFFBD800, v3;
	s8 =	sadd.s32 $0x400, s2;
	[dreg:$0x7] =	wrdreg s12;
	s25 =	simm.s32 $0x14200  }
.LBB2_25:
0x13: {  	s0 =	rddreg [dreg:$0x8];
	s3 =	simm.s32 $0x80;
	s9 =	simm.s32 $0x400  }
0x14: {  	[spmem:s0] =	stream.strided.scatter [tilespmem:s21], [sflag:$0x3], $0x6C00, s9, s3, $0x38;
	[tilespmem:$0x1EB00] =	vst v63  }
0x15: {  	_ =	swait.ge [sflag:s16], $0x6C00  }
0x16: {  	[sflag:s16] =	ssyncset.done $0x0  }
0x17: {  	[sflag:s16] =	ssyncadd.s32 $0xFFFF9400  }
0x18: {  	[bflag:$0x0] =	sbarrier.arrive $0xFFFF  }
.LBB2_33:
0x19: {  	s30 =	sadd.s32 $0x1, s30  }
0x1a: {  	p1 =	sne.s32 s30, s15  }
.Ltmp1:
0x1b: {  	_ = 	snop;
	(pc) =	sbr.rel @!p1 .LBB2_34-.Ltmp1, $1  }
0x1c: {  	_ =	sdelay $0x3  }
.LBB2_1:
0x1d: {  	[tilespmem:s5], [sflag:$0x3] =	stream.linear.gather [hbm4b:s7+s5], $0x480, $0x38;
	[tilespmem:$0x1EB00] =	vst v63  }
0x1e: {  	_ =	swait.ge [sflag:s16], $0x480  }
0x1f: {  	[sflag:s16] =	ssyncset.done $0x0  }
0x20: {  	[sflag:s16] =	ssyncadd.s32 $0xFFFFFB80  }
0x21: {  	[tilespmem:s17], [sflag:$0x3] =	stream.linear.gather [hbm4b:s2+s5], $0x480, $0x38;
	[tilespmem:$0x1EB00] =	vst v63  }
0x22: {  	_ =	swait.ge [sflag:s16], $0x480  }
0x23: {  	[sflag:s16] =	ssyncset.done $0x0  }
.Ltmp2:
0x24: {  	s0 =	simm.s32 $0x980;
	[sflag:s16] =	ssyncadd.s32 $0xFFFFFB80;
	(pc) =	sbr.rel @p0 .LBB2_14-.Ltmp2, $4  }
0x25: {  	[tilespmem:s0], [sflag:$0x3] =	stream.linear.gather [hbm4b:s8+s5], $0x80, $0x38;
	[tilespmem:$0x1EB00] =	vst v63  }
0x26: {  	_ =	swait.ge [sflag:s16], $0x80  }
0x27: {  	[sflag:s16] =	ssyncset.done $0x0  }
0x28: {  	s3 =	simm.s32 $0x0;
	[sflag:s16] =	ssyncadd.s32 $0xFFFFFF80  }
0x29: {  	s0 =	rddreg [dreg:$0x5]  }
0x2a: {  	[tilespmem:s29], [sflag:$0x3] =	stream.linear.gather [hbm4b:s0+s5], $0x3400, $0x38;
	[tilespmem:$0x1EB00] =	vst v63  }
0x2b: {  	_ =	swait.ge [sflag:s16], $0x3400  }
0x2c: {  	[sflag:s16] =	ssyncset.done $0x0  }
0x2d: {  	[sflag:s16] =	ssyncadd.s32 $0xFFFFCC00  }
0x2e: {  	v13 =	vld [tilespmem:$0x98E];
	_ =	sdelay $0x4  }
0x2f: {  	(v2sf) =	vpush v13, $0x0  }
0x30: {  	(v2sf) =	vpush v13, $0x1;
	_ =	sdelay $0xd  }
0x31: {  	s3 =	spop (v2sf)  }
0x32: {  	s23 =	spop (v2sf)  }
0x33: {  	s0 =	ssub.s32 s23, s3  }
0x34: {  	s9 =	sadd.s32 $0x1, s0;
	p1 =	slt.u32 s0, $0x7FFFFFFF;
	s0 =	simm.s32 $0x1  }
0x35: {  	s0 =	simm.s32 @!p1 $0x0;
	s10 =	sshra.s32 s9, $0x1F  }
0x36: {  	s24 =	sand.u32 $0x1, s9;
	s0 =	sadd.s32 s0, s10  }
0x37: {  	p2 =	seq.s32 s24, $0x1;
	p6 =	sne.s32 s0, $0x1  }
0x38: {  	s31 =	sshrl.u32 s9, $0x1F;
	p1 =	por !p6, !p2  }
0x39: {  	s0 =	sadd.s32 s31, s9;
	s9 =	simm.s32 $0x1;
	p1 =	por !p1, !p1  }
0x3a: {  	s0 =	sshra.s32 s0, $0x1;
	s9 =	simm.s32 @!p1 $0x0  }
0x3b: {  	s0 =	ssub.s32 s0, s9  }
0x3c: {  	p1 =	slt.s32 s0, $0x1  }
.Ltmp3:
0x3d: {  	_ = 	snop;
	(pc) =	sbr.rel @p1 .LBB2_6-.Ltmp3, $1  }
0x3e: {  	_ =	sdelay $0x3  }
0x3f: {  	v13 =	vbroadcast v13, $0x1  }
0x40: {  	v15 =	vadd.s32 s3, v2  }
0x41: {  	vm0 =	vlt.s32 v15, v13;
	_ =	sdelay $0x5  }
0x42: {  	v14 =	vld.idx.msk [tilespmem:v15+s5+$0x0], vm0;
	_ =	sdelay $0x4  }
0x43: {  	s0 =	ssub.s32 $0x0, s0;
	v16 =	vshll.u32 v14, $0x3  }
0x44: {  	s0 =	sadd.s32 $0x1, s0;
	v14 =	vand.u32 $0x7F, v14;
	v16 =	vand.u32 $0xFFFFFC00, v16  }
0x45: {  	p1 =	seq.s32 s0, $0x0;
	vm0 =	vmmov vm0;
	v14 =	vor.u32 v14, v16  }
.Ltmp4:
0x46: {  	v14 =	vadd.s32 v10, v14;
	(pc) =	sbr.rel @p1 .LBB2_5-.Ltmp4, $2  }
0x47: {  	_ =	sdelay $0x2  }
0x48: {  	s3 =	sadd.s32 $0x2, s3;
	v15 =	vmul.u32 $0x18, v15  }
.LBB2_4:
0x49: {  	v16 =	vadd.s32 s3, v2;
	s0 =	sadd.s32 $0x1, s0;
	v14 =	vld.idx.msk [tilespmem:v14+s29+$0x0], vm0  }
0x4a: {  	vm1 =	vlt.s32 v16, v13;
	p1 =	seq.s32 s0, $0x0;
	v15 =	vor.u32 v1, v15;
	_ =	sdelay $0x4  }
0x4b: {  	[tilespmem:v15+s21+$0x0] =	vst.idx.msk vm0, v14;
	vm0 =	vmmov vm1  }
0x4c: {  	v14 =	vld.idx.msk [tilespmem:v16+s5+$0x0], vm1;
	_ =	sdelay $0x5  }
0x4d: {  	v15 =	vshll.u32 v14, $0x3  }
0x4e: {  	v14 =	vand.u32 $0x7F, v14;
	v15 =	vand.u32 $0xFFFFFC00, v15  }
0x4f: {  	v14 =	vor.u32 v14, v15  }
.Ltmp5:
0x50: {  	v14 =	vadd.s32 v10, v14;
	(pc) =	sbr.rel @!p1 .LBB2_4-.Ltmp5, $2  }
0x51: {  	_ =	sdelay $0x2  }
0x52: {  	s3 =	sadd.s32 $0x2, s3;
	v15 =	vmul.u32 $0x18, v16  }
.LBB2_5:
0x53: {  	_ =	sdelay $0x4  }
0x54: {  	v13 =	vld.idx.msk [tilespmem:v14+s29+$0x0], vm0;
	v14 =	vor.u32 v1, v15;
	_ =	sdelay $0x4  }
0x55: {  	[tilespmem:v14+s21+$0x0] =	vst.idx.msk vm0, v13  }
.LBB2_6:
0x56: {  	s0 =	rddreg [dreg:$0x6]  }
0x57: {  	[tilespmem:s29], [sflag:$0x3] =	stream.linear.gather [hbm4b:s0+s5], $0x3400, $0x38;
	[tilespmem:$0x1EB00] =	vst v63  }
0x58: {  	_ =	swait.ge [sflag:s16], $0x3400  }
0x59: {  	[sflag:s16] =	ssyncset.done $0x0  }
0x5a: {  	[sflag:s16] =	ssyncadd.s32 $0xFFFFCC00  }
0x5b: {  	v13 =	vld [tilespmem:$0x98E];
	_ =	sdelay $0x4  }
0x5c: {  	(v2sf) =	vpush v13, $0x0  }
0x5d: {  	(v2sf) =	vpush v13, $0x1;
	_ =	sdelay $0xd  }
0x5e: {  	s3 =	spop (v2sf)  }
0x5f: {  	s23 =	spop (v2sf)  }
0x60: {  	s0 =	ssub.s32 s23, s3  }
0x61: {  	s9 =	sadd.s32 $0x1, s0;
	p1 =	slt.u32 s0, $0x7FFFFFFF;
	s0 =	simm.s32 $0x1  }
0x62: {  	s0 =	simm.s32 @!p1 $0x0;
	s10 =	sshra.s32 s9, $0x1F  }
0x63: {  	s24 =	sand.u32 $0x1, s9;
	s0 =	sadd.s32 s0, s10  }
0x64: {  	p2 =	seq.s32 s24, $0x1;
	p6 =	sne.s32 s0, $0x1  }
0x65: {  	s31 =	sshrl.u32 s9, $0x1F;
	p1 =	por !p6, !p2  }
0x66: {  	s0 =	sadd.s32 s31, s9;
	s9 =	simm.s32 $0x1;
	p1 =	por !p1, !p1  }
0x67: {  	s0 =	sshra.s32 s0, $0x1;
	s9 =	simm.s32 @!p1 $0x0  }
0x68: {  	s0 =	ssub.s32 s0, s9  }
0x69: {  	p1 =	slt.s32 s0, $0x1  }
.Ltmp6:
0x6a: {  	_ = 	snop;
	(pc) =	sbr.rel @p1 .LBB2_10-.Ltmp6, $1  }
0x6b: {  	_ =	sdelay $0x3  }
0x6c: {  	v13 =	vbroadcast v13, $0x1  }
0x6d: {  	v15 =	vadd.s32 s3, v2  }
0x6e: {  	vm0 =	vlt.s32 v15, v13;
	_ =	sdelay $0x5  }
0x6f: {  	v14 =	vld.idx.msk [tilespmem:v15+s5+$0x0], vm0;
	_ =	sdelay $0x4  }
0x70: {  	s0 =	ssub.s32 $0x0, s0;
	v16 =	vshll.u32 v14, $0x3  }
0x71: {  	s0 =	sadd.s32 $0x1, s0;
	v14 =	vand.u32 $0x7F, v14;
	v16 =	vand.u32 $0xFFFFFC00, v16  }
0x72: {  	p1 =	seq.s32 s0, $0x0;
	vm0 =	vmmov vm0;
	v14 =	vor.u32 v14, v16  }
.Ltmp7:
0x73: {  	v14 =	vadd.s32 v10, v14;
	(pc) =	sbr.rel @p1 .LBB2_9-.Ltmp7, $2  }
0x74: {  	_ =	sdelay $0x2  }
0x75: {  	s3 =	sadd.s32 $0x2, s3;
	v15 =	vmul.u32 $0x18, v15  }
.LBB2_8:
0x76: {  	v16 =	vadd.s32 s3, v2;
	s0 =	sadd.s32 $0x1, s0;
	v14 =	vld.idx.msk [tilespmem:v14+s29+$0x0], vm0  }
0x77: {  	vm1 =	vlt.s32 v16, v13;
	p1 =	seq.s32 s0, $0x0;
	v15 =	vadd.s32 v11, v15;
	_ =	sdelay $0x4  }
0x78: {  	[tilespmem:v15+s21+$0x0] =	vst.idx.msk vm0, v14;
	vm0 =	vmmov vm1  }
0x79: {  	v14 =	vld.idx.msk [tilespmem:v16+s5+$0x0], vm1;
	_ =	sdelay $0x5  }
0x7a: {  	v15 =	vshll.u32 v14, $0x3  }
0x7b: {  	v14 =	vand.u32 $0x7F, v14;
	v15 =	vand.u32 $0xFFFFFC00, v15  }
0x7c: {  	v14 =	vor.u32 v14, v15  }
.Ltmp8:
0x7d: {  	v14 =	vadd.s32 v10, v14;
	(pc) =	sbr.rel @!p1 .LBB2_8-.Ltmp8, $2  }
0x7e: {  	_ =	sdelay $0x2  }
0x7f: {  	s3 =	sadd.s32 $0x2, s3;
	v15 =	vmul.u32 $0x18, v16  }
.LBB2_9:
0x80: {  	_ =	sdelay $0x4  }
0x81: {  	v13 =	vld.idx.msk [tilespmem:v14+s29+$0x0], vm0;
	v14 =	vadd.s32 v11, v15;
	_ =	sdelay $0x4  }
0x82: {  	[tilespmem:v14+s21+$0x0] =	vst.idx.msk vm0, v13  }
.LBB2_10:
0x83: {  	s0 =	rddreg [dreg:$0x7]  }
0x84: {  	[tilespmem:s29], [sflag:$0x3] =	stream.linear.gather [hbm4b:s0+s5], $0x3400, $0x38;
	[tilespmem:$0x1EB00] =	vst v63  }
0x85: {  	_ =	swait.ge [sflag:s16], $0x3400  }
0x86: {  	[sflag:s16] =	ssyncset.done $0x0  }
0x87: {  	[sflag:s16] =	ssyncadd.s32 $0xFFFFCC00  }
0x88: {  	v13 =	vld [tilespmem:$0x98E];
	_ =	sdelay $0x4  }
0x89: {  	(v2sf) =	vpush v13, $0x0  }
0x8a: {  	(v2sf) =	vpush v13, $0x1;
	_ =	sdelay $0xd  }
0x8b: {  	s9 =	spop (v2sf)  }
0x8c: {  	s23 =	spop (v2sf)  }
0x8d: {  	s0 =	ssub.s32 s23, s9  }
0x8e: {  	s3 =	sadd.s32 $0x1, s0;
	p1 =	slt.u32 s0, $0x7FFFFFFF;
	s0 =	simm.s32 $0x1  }
0x8f: {  	s0 =	simm.s32 @!p1 $0x0;
	s10 =	sshra.s32 s3, $0x1F  }
0x90: {  	s24 =	sand.u32 $0x1, s3;
	s0 =	sadd.s32 s0, s10  }
0x91: {  	p2 =	seq.s32 s24, $0x1;
	p6 =	sne.s32 s0, $0x1  }
0x92: {  	s31 =	sshrl.u32 s3, $0x1F;
	p1 =	por !p6, !p2  }
0x93: {  	s0 =	sadd.s32 s31, s3;
	s3 =	simm.s32 $0x1;
	p1 =	por !p1, !p1  }
0x94: {  	s0 =	sshra.s32 s0, $0x1;
	s3 =	simm.s32 @!p1 $0x0  }
0x95: {  	s0 =	ssub.s32 s0, s3  }
0x96: {  	p1 =	slt.s32 s0, $0x1  }
.Ltmp9:
0x97: {  	_ = 	snop;
	(pc) =	sbr.rel @p1 .LBB2_14-.Ltmp9, $2  }
0x98: {  	_ =	sdelay $0x2  }
0x99: {  	s3 =	simm.s32 $0x7  }
0x9a: {  	v13 =	vbroadcast v13, $0x1  }
0x9b: {  	v15 =	vadd.s32 s9, v2  }
0x9c: {  	vm0 =	vlt.s32 v15, v13;
	_ =	sdelay $0x5  }
0x9d: {  	v14 =	vld.idx.msk [tilespmem:v15+s5+$0x0], vm0;
	_ =	sdelay $0x4  }
0x9e: {  	s0 =	ssub.s32 $0x0, s0;
	v16 =	vshll.u32 v14, $0x3  }
0x9f: {  	s0 =	sadd.s32 $0x1, s0;
	v14 =	vand.u32 $0x7F, v14;
	v16 =	vand.u32 $0xFFFFFC00, v16  }
0xa0: {  	p1 =	seq.s32 s0, $0x0;
	vm0 =	vmmov vm0;
	v14 =	vor.u32 v14, v16  }
.Ltmp10:
0xa1: {  	v14 =	vadd.s32 v10, v14;
	(pc) =	sbr.rel @p1 .LBB2_13-.Ltmp10, $2  }
0xa2: {  	_ =	sdelay $0x2  }
0xa3: {  	s9 =	sadd.s32 $0x2, s9;
	v15 =	vmul.u32 $0x18, v15  }
.LBB2_12:
0xa4: {  	v16 =	vadd.s32 s9, v2;
	s0 =	sadd.s32 $0x1, s0;
	v14 =	vld.idx.msk [tilespmem:v14+s29+$0x0], vm0  }
0xa5: {  	vm1 =	vlt.s32 v16, v13;
	p1 =	seq.s32 s0, $0x0;
	v15 =	vadd.s32 v12, v15;
	_ =	sdelay $0x4  }
0xa6: {  	[tilespmem:v15+s21+$0x0] =	vst.idx.msk vm0, v14;
	vm0 =	vmmov vm1  }
0xa7: {  	v14 =	vld.idx.msk [tilespmem:v16+s5+$0x0], vm1;
	_ =	sdelay $0x5  }
0xa8: {  	v15 =	vshll.u32 v14, $0x3  }
0xa9: {  	v14 =	vand.u32 $0x7F, v14;
	v15 =	vand.u32 $0xFFFFFC00, v15  }
0xaa: {  	v14 =	vor.u32 v14, v15  }
.Ltmp11:
0xab: {  	v14 =	vadd.s32 v10, v14;
	(pc) =	sbr.rel @!p1 .LBB2_12-.Ltmp11, $2  }
0xac: {  	_ =	sdelay $0x2  }
0xad: {  	s9 =	sadd.s32 $0x2, s9;
	v15 =	vmul.u32 $0x18, v16  }
.LBB2_13:
0xae: {  	_ =	sdelay $0x4  }
0xaf: {  	v13 =	vld.idx.msk [tilespmem:v14+s29+$0x0], vm0;
	v14 =	vadd.s32 v12, v15;
	_ =	sdelay $0x4  }
0xb0: {  	[tilespmem:v14+s21+$0x0] =	vst.idx.msk vm0, v13  }
.LBB2_14:
0xb1: {  	s0 =	smul.u32 $0x4C00, s3  }
.Ltmp12:
0xb2: {  	_ = 	snop;
	(pc) =	sbr.rel .LBB2_15-.Ltmp12, $4  }
0xb3: {  	s0 =	sadd.s32 s6, s0  }
0xb4: {  	s0 =	sshrl.u32 s0, $0x3  }
0xb5: {  	s31 =	simm.s32 $0x0;
	s0 =	sadd.s32 s1, s0  }
0xb6: {  	[tilespmem:s19], [sflag:$0x1] =	stream.linear.gather [hbm4b:s0+s31], $0x4C00, $0x38;
	[tilespmem:$0x1EB00] =	vst v63  }
.LBB2_22:
0xb7: {  	_ =	sdelay $0x4  }
0xb8: {  	v13 =	vld.idx.msk [tilespmem:v16+s22+$0x0], vm0;
	v14 =	vadd.s32 v15, v17;
	_ =	sdelay $0x4  }
0xb9: {  	[tilespmem:v14+s21+$0x0] =	vst.idx.msk vm0, v13  }
.LBB2_23:
0xba: {  	s31 =	sadd.s32 $0x1, s31  }
0xbb: {  	p1 =	sne.s32 s31, $0xB  }
.Ltmp13:
0xbc: {  	_ = 	snop;
	(pc) =	sbr.rel @!p1 .LBB2_24-.Ltmp13, $1  }
0xbd: {  	_ =	sdelay $0x3  }
.LBB2_15:
0xbe: {  	s0 =	sshllo.u32 s31, $0x1  }
0xbf: {  	p1 =	sgt.u32 s0, $0x14  }
0xc0: {  	s9 =	smul.u32 @!p1 $0x25, s0;
	_ =	sdelay $0x1  }
0xc1: {  	s9 =	sshrl.u32 @!p1 s9, $0x8  }
0xc2: {  	s10 =	ssub.s32 @!p1 s0, s9  }
0xc3: {  	s10 =	sand.u32 @!p1 $0xFE, s10  }
0xc4: {  	s10 =	sshrl.u32 @!p1 s10, $0x1  }
0xc5: {  	s9 =	sadd.s32 @!p1 s9, s10  }
0xc6: {  	s23 =	sshll.u32 s31, $0x1;
	s10 =	sand.u32 @!p1 $0xFC, s9  }
0xc7: {  	s11 =	smul.u32 $0x25, s23;
	s10 =	sshrl.u32 @!p1 s10, $0x2  }
0xc8: {  	s9 =	sshll.u32 @!p1 s9, $0x2;
	s10 =	smul.u32 @!p1 $0x7, s10  }
0xc9: {  	s9 =	sand.u32 @!p1 $0xF0, s9  }
0xca: {  	s24 =	sshrl.u32 s11, $0x8;
	s9 =	sor.u32 @!p1 s9, s4;
	s10 =	ssub.s32 @!p1 s0, s10  }
0xcb: {  	s11 =	smul.u32 @!p1 $0x45C00, s9;
	s9 =	ssub.s32 s23, s24;
	s10 =	sand.u32 @!p1 $0xFF, s10  }
0xcc: {  	s12 =	sand.u32 $0xFE, s9;
	s18 =	sadd.s32 @!p1 s10, s3  }
0xcd: {  	s12 =	sshrl.u32 s12, $0x1;
	s10 =	smul.u32 @!p1 $0x4C00, s18  }
0xce: {  	s14 =	sadd.s32 s24, s12  }
0xcf: {  	s10 =	sadd.s32 @!p1 s10, s11;
	s11 =	sand.u32 $0xFC, s14  }
0xd0: {  	s13 =	simm.s32 @!p1 $0x5600;
	s10 =	sshrl.u32 @!p1 s10, $0x3;
	s11 =	sshrl.u32 s11, $0x2  }
0xd1: {  	s12 =	simm.s32 @!p1 $0x0;
	s10 =	sadd.s32 @!p1 s1, s10;
	s11 =	smul.u32 $0x7, s11  }
0xd2: {  	[tilespmem:s13], [sflag:$0x2] =	stream.linear.gather @!p1 [hbm4b:s10+s12], $0x4C00, $0x38;
	[tilespmem:$0x1EB00] =	vst v63  }
0xd3: {  	s12 =	ssub.s32 s23, s11  }
0xd4: {  	_ =	swait.ge [sflag:s20], $0x4C00;
	s10 =	sand.u32 $0xFF, s12  }
0xd5: {  	[sflag:s20] =	ssyncset.done $0x0;
	s11 =	sadd.s32 s10, s3  }
0xd6: {  	[sflag:s20] =	ssyncadd.s32 $0xFFFFB400;
	s10 =	sor.u32 $0x980, s11  }
0xd7: {  	v13 =	vld [tilespmem:s10+$0x0];
	_ =	sdelay $0x4  }
0xd8: {  	(v2sf) =	vpush v13, $0x0  }
0xd9: {  	(v2sf) =	vpush v13, $0x1;
	_ =	sdelay $0xd  }
0xda: {  	s10 =	spop (v2sf)  }
0xdb: {  	s13 =	spop (v2sf)  }
0xdc: {  	s12 =	ssub.s32 s13, s10  }
0xdd: {  	s13 =	sadd.s32 $0x1, s12;
	p2 =	slt.u32 s12, $0x7FFFFFFF;
	s12 =	simm.s32 $0x1  }
0xde: {  	s12 =	simm.s32 @!p2 $0x0;
	s14 =	sshra.s32 s13, $0x1F  }
0xdf: {  	s12 =	sadd.s32 s12, s14;
	s14 =	sand.u32 $0x1, s13  }
0xe0: {  	p6 =	sne.s32 s12, $0x1;
	p3 =	seq.s32 s14, $0x1  }
0xe1: {  	s14 =	sshrl.u32 s13, $0x1F;
	p2 =	por !p6, !p3  }
0xe2: {  	s12 =	sadd.s32 s14, s13;
	s13 =	simm.s32 $0x1;
	p2 =	por !p2, !p2  }
0xe3: {  	s12 =	sshra.s32 s12, $0x1;
	s13 =	simm.s32 @!p2 $0x0  }
0xe4: {  	s12 =	ssub.s32 s12, s13  }
0xe5: {  	p2 =	slt.s32 s12, $0x1  }
.Ltmp14:
0xe6: {  	_ = 	snop;
	(pc) =	sbr.rel @p2 .LBB2_19-.Ltmp14, $1  }
0xe7: {  	_ =	sdelay $0x3  }
0xe8: {  	v13 =	vbroadcast v13, $0x1  }
0xe9: {  	v17 =	vadd.s32 s10, v2  }
0xea: {  	vm0 =	vlt.s32 v17, v13;
	_ =	sdelay $0x5  }
0xeb: {  	v15 =	vld.idx.msk [tilespmem:v17+s5+$0x0], vm0;
	_ =	sdelay $0x1  }
0xec: {  	s11 =	smul.u32 $0xFFFFF680, s11;
	_ =	sdelay $0x1  }
0xed: {  	v14 =	vmov s11  }
0xee: {  	s9 =	sshrl.u32 s9, $0x1;
	v16 =	vadd.s32 v14, v15  }
0xef: {  	s9 =	sadd.s32 s24, s9;
	s24 =	ssub.s32 $0x0, s12;
	v16 =	vshll.u32 v16, $0x3  }
0xf0: {  	s24 =	sadd.s32 $0x1, s24;
	v18 =	vand.u32 $0x7F, v15;
	v16 =	vand.u32 $0xFFFFFC00, v16  }
0xf1: {  	p2 =	seq.s32 s24, $0x0;
	vm0 =	vmmov vm0;
	v16 =	vor.u32 v16, v18  }
.Ltmp15:
0xf2: {  	v16 =	vor.u32 v3, v16;
	(pc) =	sbr.rel @p2 .LBB2_18-.Ltmp15, $4  }
0xf3: {  	_ = 	snop  }
0xf4: {  	s9 =	sshll.u32 s9, $0x1  }
0xf5: {  	s9 =	sand.u32 $0xF8, s9  }
0xf6: {  	v17 =	vmul.u32 $0x18, v17;
	v15 =	vor.u32 s9, v1;
	s9 =	sadd.s32 $0x2, s10  }
.LBB2_17:
0xf7: {  	v18 =	vadd.s32 s9, v2;
	s24 =	sadd.s32 $0x1, s24;
	v16 =	vld.idx.msk [tilespmem:v16+s19+$0x0], vm0  }
0xf8: {  	vm1 =	vlt.s32 v18, v13;
	p2 =	seq.s32 s24, $0x0;
	v17 =	vadd.s32 v15, v17;
	_ =	sdelay $0x4  }
0xf9: {  	[tilespmem:v17+s21+$0x0] =	vst.idx.msk vm0, v16;
	vm0 =	vmmov vm1  }
0xfa: {  	v16 =	vld.idx.msk [tilespmem:v18+s5+$0x0], vm1;
	_ =	sdelay $0x5  }
0xfb: {  	v17 =	vadd.s32 v14, v16  }
0xfc: {  	v17 =	vshll.u32 v17, $0x3  }
0xfd: {  	v16 =	vand.u32 $0x7F, v16;
	v17 =	vand.u32 $0xFFFFFC00, v17  }
0xfe: {  	v16 =	vor.u32 v17, v16  }
.Ltmp16:
0xff: {  	v16 =	vor.u32 v3, v16;
	(pc) =	sbr.rel @!p2 .LBB2_17-.Ltmp16, $2  }
0x100: {  	_ =	sdelay $0x2  }
0x101: {  	s9 =	sadd.s32 $0x2, s9;
	v17 =	vmul.u32 $0x18, v18  }
.LBB2_18:
0x102: {  	_ =	sdelay $0x4  }
0x103: {  	v13 =	vld.idx.msk [tilespmem:v16+s19+$0x0], vm0;
	v14 =	vadd.s32 v15, v17;
	_ =	sdelay $0x4  }
0x104: {  	[tilespmem:v14+s21+$0x0] =	vst.idx.msk vm0, v13  }
.LBB2_19:
0x105: {  	p2 =	seq.s32 s31, $0xA  }
0x106: {  	s9 =	sadd.s32 @!p2 $0x2, s23  }
0x107: {  	s10 =	smulhi.u32 @!p2 $0x92492493, s9;
	_ =	sdelay $0x1  }
0x108: {  	s10 =	sshrl.u32 @!p2 s10, $0x2  }
0x109: {  	s11 =	smul.u32 @!p2 $0x7, s10  }
0x10a: {  	s10 =	sshll.u32 @!p2 s10, $0x4  }
0x10b: {  	s10 =	sor.u32 @!p2 s4, s10;
	s9 =	ssub.s32 @!p2 s9, s11  }
0x10c: {  	s10 =	smul.u32 @!p2 $0x45C00, s10;
	s9 =	sadd.s32 @!p2 s3, s9  }
0x10d: {  	s9 =	smul.u32 @!p2 $0x4C00, s9;
	_ =	sdelay $0x1  }
0x10e: {  	s9 =	sadd.s32 @!p2 s9, s10  }
0x10f: {  	s9 =	sshrl.u32 @!p2 s9, $0x3  }
0x110: {  	s11 =	simm.s32 @!p2 $0xA00;
	s10 =	simm.s32 @!p2 $0x0;
	s9 =	sadd.s32 @!p2 s1, s9  }
0x111: {  	[tilespmem:s11], [sflag:$0x1] =	stream.linear.gather @!p2 [hbm4b:s9+s10], $0x4C00, $0x38;
	[tilespmem:$0x1EB00] =	vst v63  }
0x112: {  	s9 =	simm.s32 @!p1 $0x2  }
0x113: {  	_ =	swait.ge @!p1 [sflag:s9], $0x4C00  }
0x114: {  	[sflag:s9] =	ssyncset.done @!p1 $0x0  }
0x115: {  	[sflag:s9] =	ssyncadd.s32 @!p1 $0xFFFFB400;
	s9 =	sor.u32 @!p1 $0x980, s18  }
0x116: {  	v13 =	vld @!p1 [tilespmem:s9+$0x0];
	_ =	sdelay $0x4  }
0x117: {  	(v2sf) =	vpush @!p1 v13, $0x0  }
0x118: {  	(v2sf) =	vpush @!p1 v13, $0x1;
	_ =	sdelay $0xd  }
0x119: {  	s9 =	spop @!p1 (v2sf)  }
0x11a: {  	s10 =	spop @!p1 (v2sf)  }
0x11b: {  	s10 =	ssub.s32 @!p1 s10, s9  }
0x11c: {  	p2 =	slt.u32 @!p1 s10, $0x7FFFFFFF  }
0x11d: {  	s11 =	simm.s32 @!p1 $0x1;
	s10 =	sadd.s32 @!p1 $0x1, s10;
	p2 =	por !p2, p1  }
0x11e: {  	s12 =	sshra.s32 @!p1 s10, $0x1F;
	s11 =	simm.s32 @p2 $0x0  }
0x11f: {  	s11 =	sadd.s32 @!p1 s11, s12;
	s12 =	sand.u32 @!p1 $0x1, s10  }
0x120: {  	p2 =	sne.s32 @!p1 s11, $0x1;
	p3 =	seq.s32 @!p1 s12, $0x1  }
0x121: {  	p2 =	por @!p1 !p2, !p3  }
0x122: {  	s11 =	sshrl.u32 @!p1 s10, $0x1F;
	p2 =	por @!p1 !p2, !p2  }
0x123: {  	s10 =	sadd.s32 @!p1 s11, s10;
	s11 =	simm.s32 @!p1 $0x1;
	p2 =	por !p2, p1  }
0x124: {  	s10 =	sshra.s32 @!p1 s10, $0x1;
	s11 =	simm.s32 @p2 $0x0  }
0x125: {  	s10 =	ssub.s32 @!p1 s10, s11  }
0x126: {  	p2 =	slt.s32 @!p1 s10, $0x1  }
0x127: {  	p1 =	por p1, p2  }
.Ltmp17:
0x128: {  	_ = 	snop;
	(pc) =	sbr.rel @p1 .LBB2_23-.Ltmp17, $1  }
0x129: {  	_ =	sdelay $0x3  }
0x12a: {  	v13 =	vbroadcast v13, $0x1  }
0x12b: {  	v17 =	vadd.s32 s9, v2  }
0x12c: {  	vm0 =	vlt.s32 v17, v13;
	_ =	sdelay $0x5  }
0x12d: {  	s11 =	smul.u32 $0x25, s0;
	v15 =	vld.idx.msk [tilespmem:v17+s5+$0x0], vm0;
	_ =	sdelay $0x1  }
0x12e: {  	s12 =	smul.u32 $0xFFFFF680, s18;
	s11 =	sshrl.u32 s11, $0x8  }
0x12f: {  	s23 =	ssub.s32 s0, s11  }
0x130: {  	v14 =	vmov s12;
	s0 =	sshrl.u32 s23, $0x1  }
0x131: {  	s0 =	sadd.s32 s11, s0;
	v16 =	vadd.s32 v14, v15  }
0x132: {  	s10 =	ssub.s32 $0x0, s10;
	s0 =	sshll.u32 s0, $0x1;
	v16 =	vshll.u32 v16, $0x3  }
0x133: {  	s24 =	sand.u32 $0xF8, s0;
	s0 =	sadd.s32 $0x1, s10;
	v18 =	vand.u32 $0x7F, v15;
	v16 =	vand.u32 $0xFFFFFC00, v16  }
0x134: {  	p1 =	seq.s32 s0, $0x0;
	vm0 =	vmmov vm0;
	v16 =	vor.u32 v16, v18  }
.Ltmp18:
0x135: {  	v16 =	vor.u32 v3, v16;
	(pc) =	sbr.rel @p1 .LBB2_22-.Ltmp18, $2  }
0x136: {  	_ =	sdelay $0x2  }
0x137: {  	s9 =	sadd.s32 $0x2, s9;
	v17 =	vmul.u32 $0x18, v17;
	v15 =	vor.u32 s24, v1  }
.LBB2_21:
0x138: {  	v18 =	vadd.s32 s9, v2;
	s0 =	sadd.s32 $0x1, s0;
	v16 =	vld.idx.msk [tilespmem:v16+s22+$0x0], vm0  }
0x139: {  	v17 =	vadd.s32 v15, v17;
	vm1 =	vlt.s32 v18, v13;
	p1 =	seq.s32 s0, $0x0;
	_ =	sdelay $0x4  }
0x13a: {  	[tilespmem:v17+s21+$0x0] =	vst.idx.msk vm0, v16;
	vm0 =	vmmov vm1  }
0x13b: {  	v16 =	vld.idx.msk [tilespmem:v18+s5+$0x0], vm1;
	_ =	sdelay $0x5  }
0x13c: {  	v17 =	vadd.s32 v14, v16  }
0x13d: {  	v17 =	vshll.u32 v17, $0x3  }
0x13e: {  	v16 =	vand.u32 $0x7F, v16;
	v17 =	vand.u32 $0xFFFFFC00, v17  }
0x13f: {  	v16 =	vor.u32 v17, v16  }
.Ltmp19:
0x140: {  	v16 =	vor.u32 v3, v16;
	(pc) =	sbr.rel @!p1 .LBB2_21-.Ltmp19, $2  }
0x141: {  	_ =	sdelay $0x2  }
0x142: {  	s9 =	sadd.s32 $0x2, s9;
	v17 =	vmul.u32 $0x18, v18  }
.Ltmp20:
0x143: {  	_ = 	snop;
	(pc) =	sbr.rel .LBB2_22-.Ltmp20, $1  }
0x144: {  	_ =	sdelay $0x3  }
.LBB2_24:
.Ltmp21:
0x145: {  	(pc) =	sbr.rel @!p0 .LBB2_25-.Ltmp21, $1  }
0x146: {  	_ =	sdelay $0x3  }
0x147: {  	[bflag:$0x0] =	sbarrier.arrive $0xFFFF  }
0x148: {  	s3 =	simm.s32 $0x80;
	s9 =	simm.s32 $0x400;
	s0 =	rddreg [dreg:$0x9]  }
0x149: {  	[tilespmem:s25], [sflag:$0x3] =	stream.strided.gather [spmem:s0], $0x6C00, s9, s3, $0x38;
	[tilespmem:$0x1EB00] =	vst v63  }
0x14a: {  	_ =	swait.ge [sflag:s16], $0x6C00  }
0x14b: {  	[sflag:s16] =	ssyncset.done $0x0  }
0x14c: {  	[sflag:s16] =	ssyncadd.s32 $0xFFFF9400  }
0x14d: {  	v13 =	vld.msk [tilespmem:$0x987 ss:$0x0], $0xffff;
	[tilespmem:$0x1AE00] =	vst v4  }
0x14e: {  	[tilespmem:$0x1AE10] =	vst v5  }
0x14f: {  	[tilespmem:$0x1AE20] =	vst v6  }
0x150: {  	[tilespmem:$0x1AE30] =	vst v7  }
0x151: {  	s31 =	simm.s32 $0x0;
	s3 =	simm.s32 $0x0;
	[tilespmem:$0x1AE40] =	vst v8  }
.LBB2_27:
0x152: {  	s9 =	simm.s32 $0x0  }
0x153: {  	v15 =	vor.u32 s9, v0;
	_ =	sdelay $0x1  }
0x154: {  	s18 =	simm.s32 $0x10  }
0x155: {  	v16 =	vor.u32 s18, v0  }
0x156: {  	s23 =	simm.s32 $0x20  }
0x157: {  	v18 =	vor.u32 s23, v0;
	v17 =	vld.idx.msk [tilespmem:v15+s17+$0x0], $0xffff  }
0x158: {  	s0 =	simm.s32 $0x30  }
0x159: {  	v19 =	vor.u32 s0, v0  }
0x15a: {  	v20 =	vld.idx.msk [tilespmem:v16+s17+$0x0], $0xffff  }
0x15b: {  	p1 =	por $0x0, $0x0;
	s0 =	simm.s32 $0x8  }
0x15c: {  	s0 =	simm.s32 @!p1 $0x0;
	v21 =	vld.idx.msk [tilespmem:v18+s17+$0x0], $0xffff;
	v22 =	vmul.u32 $0x18, v17  }
0x15d: {  	s0 =	sadd.s32 s3, s0  }
0x15e: {  	v23 =	vld.idx.msk [tilespmem:v19+s17+$0x0], $0xffff;
	v22 =	vadd.s32 s0, v22  }
0x15f: {  	v24 =	vmul.u32 $0x18, v20;
	_ =	sdelay $0x1  }
0x160: {  	v25 =	vmul.u32 $0x18, v21;
	v24 =	vadd.s32 s0, v24;
	_ =	sdelay $0x1  }
0x161: {  	v27 =	vmul.u32 $0x18, v23;
	v25 =	vadd.s32 s0, v25;
	v26 =	vld.idx.msk [tilespmem:v22+s21+$0x0], $0xffff  }
0x162: {  	v22 =	vld.idx.msk [tilespmem:v22+s25+$0x0], $0xffff  }
0x163: {  	v27 =	vadd.s32 s0, v27  }
0x164: {  	v28 =	vld.idx.msk [tilespmem:v24+s21+$0x0], $0xffff  }
0x165: {  	v24 =	vld.idx.msk [tilespmem:v24+s25+$0x0], $0xffff  }
0x166: {  	p1 =	por $0x1, $0x1;
	vm0 =	vlt.s32 v17, v13;
	s0 =	simm.f32 $1.000000000e+00;
	v29 =	vld.idx.msk [tilespmem:v25+s21+$0x0], $0xffff  }
0x167: {  	s0 =	simm.s32 @!p1 $0xBF800000;
	v17 =	vld.idx.msk [tilespmem:v25+s25+$0x0], $0xffff;
	v22 =	vsel vm0, v26, v22  }
0x168: {  	v60 =	vld.idx.msk [tilespmem:v27+s21+$0x0], $0xffff;
	v22 =	vmul.f32 s0, v22  }
0x169: {  	vm9 =	vlt.s32 v20, v13;
	v61 =	vld.idx.msk [tilespmem:v27+s25+$0x0], $0xffff  }
0x16a: {  	v20 =	vsel vm9, v28, v24;
	vm1 =	vlt.f32 v22, $+Inf;
	vm2 =	vgt.f32 v22, $+Inf  }
0x16b: {  	vm11 =	vlt.s32 v21, v13;
	v20 =	vmul.f32 s0, v20;
	vm10 =	vmor vm2, vm1  }
0x16c: {  	v17 =	vsel vm11, v29, v17;
	v62 =	vnsel vm10, $0x7F800000, v22  }
0x16d: {  	vm13 =	vlt.s32 v23, v13;
	v17 =	vmul.f32 s0, v17;
	vm12 =	vlt.f32 v20, v62  }
0x16e: {  	v63 =	vsel vm13, v60, v61;
	v20 =	vsel vm12, v20, v62  }
0x16f: {  	v21 =	vmul.f32 s0, v63;
	vm14 =	vlt.f32 v17, v20  }
0x170: {  	v17 =	vsel vm14, v17, v20  }
0x171: {  	vm3 =	vlt.f32 v21, v17  }
0x172: {  	v17 =	vsel vm3, v21, v17  }
0x173: {  	(xrf0) =	vmin.scan.msk.f32 $0xffff, v17;
	_ =	sdelay $0x4  }
0x174: {  	v15 =	vnsel vm10, $0x0, v15  }
0x175: {  	v15 =	vsel vm12, v16, v15;
	v16, _, _ =	vpop (xrf0)  }
0x176: {  	v15 =	vsel vm14, v18, v15;
	v16 =	vbroadcast v16, $0xF  }
0x177: {  	v15 =	vsel vm3, v19, v15  }
0x178: {  	v15 =	vxor.u32 $0x80000000, v15;
	vm15 =	veq.f32 v17, v16  }
0x179: {  	v15 =	vnsel vm15, $0xC0000000, v15  }
0x17a: {  	(xrf0) =	vmin.scan.msk.u32 $0xffff, v15;
	_ =	sdelay $0x5  }
0x17b: {  	v15, _, _ =	vpop (xrf0)  }
0x17c: {  	(v2sf) =	vpush v15, $0xF;
	_ =	sdelay $0xc  }
0x17d: {  	s24 =	simm.s32 $0x40;
	v16 =	vmov s31  }
0x17e: {  	v14 =	vmov s3;
	s18 =	simm.s32 $0x70;
	s23 =	simm.s32 $0xB0;
	s0 =	simm.s32 $0x0;
	v15 =	vor.u32 s24, v0  }
.LBB2_28:
0x17f: {  	p1 =	seq.s32 s23, $0x430;
	s9 =	spop (v2sf)  }
0x180: {  	s10 =	sadd.s32 $0xFFFFFFE0, s18;
	s9 =	sxor.u32 $0x80000000, s9  }
0x181: {  	v17 =	vor.u32 s10, v0;
	v18 =	vmov s9  }
0x182: {  	s9 =	sadd.s32 $0xFFFFFFF0, s18;
	[tilespmem:v16+s26+$0x0] =	vst.idx.msk $0x1, v18  }
0x183: {  	v18 =	vor.u32 s9, v0;
	v16 =	vld.idx.msk [tilespmem:v15+s17+$0x0], $0xffff;
	_ =	sdelay $0x1  }
0x184: {  	v19 =	vor.u32 s18, v0  }
0x185: {  	v20 =	vld.idx.msk [tilespmem:v17+s17+$0x0], $0xffff;
	_ =	sdelay $0x1  }
0x186: {  	p2 =	seq.s32 s18, $0x230;
	s18 =	smov.u32 s23;
	s9 =	simm.s32 $0x8;
	v21 =	vld.idx.msk [tilespmem:v18+s17+$0x0], $0xffff  }
0x187: {  	s9 =	simm.s32 @!p2 $0x0;
	v22 =	vmul.u32 $0x18, v16  }
0x188: {  	s9 =	sadd.s32 s3, s9;
	v23 =	vld.idx.msk [tilespmem:v19+s17+$0x0], $0xffff  }
0x189: {  	v22 =	vadd.s32 s9, v22  }
0x18a: {  	v24 =	vmul.u32 $0x18, v20;
	_ =	sdelay $0x1  }
0x18b: {  	v24 =	vadd.s32 s9, v24;
	v25 =	vmul.u32 $0x18, v21;
	_ =	sdelay $0x1  }
0x18c: {  	v25 =	vadd.s32 s9, v25;
	v27 =	vmul.u32 $0x18, v23;
	v26 =	vld.idx.msk [tilespmem:v22+s21+$0x0], $0xffff  }
0x18d: {  	v22 =	vld.idx.msk [tilespmem:v22+s25+$0x0], $0xffff  }
0x18e: {  	v27 =	vadd.s32 s9, v27  }
0x18f: {  	v28 =	vld.idx.msk [tilespmem:v24+s21+$0x0], $0xffff  }
0x190: {  	v24 =	vld.idx.msk [tilespmem:v24+s25+$0x0], $0xffff  }
0x191: {  	s0 =	sadd.s32 $0x1, s0;
	v29 =	vld.idx.msk [tilespmem:v25+s21+$0x0], $0xffff  }
0x192: {  	p2 =	slt.u32 s0, $0x8;
	vm0 =	vlt.s32 v16, v13;
	s9 =	simm.f32 $1.000000000e+00;
	v16 =	vld.idx.msk [tilespmem:v25+s25+$0x0], $0xffff  }
0x193: {  	s9 =	simm.s32 @!p2 $0xBF800000;
	v22 =	vsel vm0, v26, v22;
	v25 =	vld.idx.msk [tilespmem:v27+s21+$0x0], $0xffff  }
0x194: {  	v22 =	vmul.f32 s9, v22;
	v26 =	vld.idx.msk [tilespmem:v27+s25+$0x0], $0xffff  }
0x195: {  	vm0 =	vlt.s32 v20, v13  }
0x196: {  	vm1 =	vlt.f32 v22, $+Inf;
	vm2 =	vgt.f32 v22, $+Inf;
	v20 =	vsel vm0, v28, v24  }
0x197: {  	vm0 =	vmor vm2, vm1;
	v20 =	vmul.f32 s9, v20;
	vm1 =	vlt.s32 v21, v13  }
0x198: {  	v21 =	vnsel vm0, $0x7F800000, v22;
	v16 =	vsel vm1, v29, v16  }
0x199: {  	vm2 =	vlt.s32 v23, v13;
	vm1 =	vlt.f32 v20, v21;
	v16 =	vmul.f32 s9, v16  }
0x19a: {  	v20 =	vsel vm1, v20, v21;
	v21 =	vsel vm2, v25, v26  }
0x19b: {  	vm2 =	vlt.f32 v16, v20;
	v21 =	vmul.f32 s9, v21  }
0x19c: {  	v16 =	vsel vm2, v16, v20  }
0x19d: {  	vm3 =	vlt.f32 v21, v16  }
0x19e: {  	v16 =	vsel vm3, v21, v16  }
0x19f: {  	(xrf0) =	vmin.scan.msk.f32 $0xffff, v16;
	_ =	sdelay $0x4  }
0x1a0: {  	v15 =	vnsel vm0, $0x0, v15  }
0x1a1: {  	v15 =	vsel vm1, v17, v15;
	v17, _, _ =	vpop (xrf0)  }
0x1a2: {  	v15 =	vsel vm2, v18, v15;
	v17 =	vbroadcast v17, $0xF  }
0x1a3: {  	v15 =	vsel vm3, v19, v15  }
0x1a4: {  	v15 =	vxor.u32 $0x80000000, v15;
	vm0 =	veq.f32 v16, v17  }
0x1a5: {  	v15 =	vnsel vm0, $0xC0000000, v15  }
0x1a6: {  	(xrf0) =	vmin.scan.msk.u32 $0xffff, v15;
	_ =	sdelay $0x5  }
0x1a7: {  	v15, _, _ =	vpop (xrf0)  }
0x1a8: {  	(v2sf) =	vpush v15, $0xF;
	_ =	sdelay $0x9  }
.Ltmp22:
0x1a9: {  	(pc) =	sbr.rel @!p1 .LBB2_28-.Ltmp22, $3  }
0x1aa: {  	_ =	sdelay $0x1  }
0x1ab: {  	s9 =	sadd.s32 $0xFFFFFFD0, s23;
	v16 =	vmov s0  }
0x1ac: {  	s23 =	sadd.s32 $0x40, s23;
	v15 =	vor.u32 s9, v0  }
0x1ad: {  	_ = 	snop  }
0x1ae: {  	s9 =	spop (v2sf)  }
0x1af: {  	s10 =	sadd.s32 $0xFFFFFFE0, s18;
	s9 =	sxor.u32 $0x80000000, s9  }
0x1b0: {  	v17 =	vor.u32 s10, v0;
	v18 =	vmov s9  }
0x1b1: {  	s14 =	sadd.s32 $0xFFFFFFF0, s18;
	[tilespmem:v16+s26+$0x0] =	vst.idx.msk $0x1, v18  }
0x1b2: {  	v18 =	vor.u32 s14, v0;
	v16 =	vld.idx.msk [tilespmem:v15+s17+$0x0], $0xffff;
	_ =	sdelay $0x1  }
0x1b3: {  	v19 =	vor.u32 s18, v0  }
0x1b4: {  	v20 =	vld.idx.msk [tilespmem:v17+s17+$0x0], $0xffff  }
0x1b5: {  	p1 =	seq.s32 s18, $0x230;
	s9 =	simm.s32 $0x8  }
0x1b6: {  	s9 =	simm.s32 @!p1 $0x0;
	v21 =	vld.idx.msk [tilespmem:v18+s17+$0x0], $0xffff;
	v22 =	vmul.u32 $0x18, v16  }
0x1b7: {  	s9 =	sadd.s32 s3, s9  }
0x1b8: {  	v23 =	vld.idx.msk [tilespmem:v19+s17+$0x0], $0xffff;
	v22 =	vadd.s32 s9, v22  }
0x1b9: {  	v24 =	vmul.u32 $0x18, v20;
	_ =	sdelay $0x1  }
0x1ba: {  	v24 =	vadd.s32 s9, v24;
	v25 =	vmul.u32 $0x18, v21;
	_ =	sdelay $0x1  }
0x1bb: {  	v27 =	vmul.u32 $0x18, v23;
	v25 =	vadd.s32 s9, v25;
	v26 =	vld.idx.msk [tilespmem:v22+s21+$0x0], $0xffff  }
0x1bc: {  	v22 =	vld.idx.msk [tilespmem:v22+s25+$0x0], $0xffff  }
0x1bd: {  	v27 =	vadd.s32 s9, v27  }
0x1be: {  	v28 =	vld.idx.msk [tilespmem:v24+s21+$0x0], $0xffff  }
0x1bf: {  	s0 =	sadd.s32 $0x1, s0;
	v24 =	vld.idx.msk [tilespmem:v24+s25+$0x0], $0xffff  }
0x1c0: {  	p1 =	slt.u32 s0, $0x8;
	vm0 =	vlt.s32 v16, v13;
	s9 =	simm.f32 $1.000000000e+00;
	v29 =	vld.idx.msk [tilespmem:v25+s21+$0x0], $0xffff  }
0x1c1: {  	s9 =	simm.s32 @!p1 $0xBF800000;
	v16 =	vld.idx.msk [tilespmem:v25+s25+$0x0], $0xffff;
	v22 =	vsel vm0, v26, v22  }
0x1c2: {  	v62 =	vld.idx.msk [tilespmem:v27+s21+$0x0], $0xffff;
	v22 =	vmul.f32 s9, v22  }
0x1c3: {  	vm7 =	vlt.s32 v20, v13;
	v63 =	vld.idx.msk [tilespmem:v27+s25+$0x0], $0xffff  }
0x1c4: {  	v20 =	vsel vm7, v28, v24;
	vm1 =	vlt.f32 v22, $+Inf;
	vm2 =	vgt.f32 v22, $+Inf  }
0x1c5: {  	vm9 =	vlt.s32 v21, v13;
	v20 =	vmul.f32 s9, v20;
	vm8 =	vmor vm2, vm1  }
0x1c6: {  	v16 =	vsel vm9, v29, v16;
	v21 =	vnsel vm8, $0x7F800000, v22  }
0x1c7: {  	vm11 =	vlt.s32 v23, v13;
	v16 =	vmul.f32 s9, v16;
	vm10 =	vlt.f32 v20, v21  }
0x1c8: {  	v20 =	vsel vm10, v20, v21;
	v21 =	vsel vm11, v62, v63  }
0x1c9: {  	vm12 =	vlt.f32 v16, v20;
	v21 =	vmul.f32 s9, v21  }
0x1ca: {  	v16 =	vsel vm12, v16, v20  }
0x1cb: {  	vm3 =	vlt.f32 v21, v16  }
0x1cc: {  	v16 =	vsel vm3, v21, v16  }
0x1cd: {  	(xrf0) =	vmin.scan.msk.f32 $0xffff, v16;
	_ =	sdelay $0x4  }
0x1ce: {  	v15 =	vnsel vm8, $0x0, v15  }
0x1cf: {  	v15 =	vsel vm10, v17, v15;
	v17, _, _ =	vpop (xrf0)  }
0x1d0: {  	v15 =	vsel vm12, v18, v15;
	v17 =	vbroadcast v17, $0xF  }
0x1d1: {  	v15 =	vsel vm3, v19, v15  }
0x1d2: {  	v15 =	vxor.u32 $0x80000000, v15;
	vm13 =	veq.f32 v16, v17  }
0x1d3: {  	v15 =	vnsel vm13, $0xC0000000, v15  }
0x1d4: {  	(xrf0) =	vmin.scan.msk.u32 $0xffff, v15;
	_ =	sdelay $0x5  }
0x1d5: {  	v15, _, _ =	vpop (xrf0)  }
0x1d6: {  	(v2sf) =	vpush v15, $0xF;
	_ =	sdelay $0xc  }
0x1d7: {  	v15 =	vmov s0;
	_ =	sdelay $0x1  }
0x1d8: {  	s18 =	spop (v2sf)  }
0x1d9: {  	s0 =	sxor.u32 $0x80000000, s18  }
0x1da: {  	s24 =	simm.s32 $0x0;
	v16 =	vmov s0  }
0x1db: {  	[tilespmem:v15+s26+$0x0] =	vst.idx.msk $0x1, v16;
	v16 =	vor.u32 s24, v0  }
0x1dc: {  	v17 =	vmulhi.u32 $0xAAAAAAAB, v16;
	_ =	sdelay $0x1  }
0x1dd: {  	v17 =	vshrl.u32 v17, $0x1  }
0x1de: {  	v18 =	vmul.u32 $0xFFFFFFFD, v17  }
0x1df: {  	v19 =	vmov s24;
	v20 =	vsub.s32 $0x0, v16  }
0x1e0: {  	vm14 =	veq.s32 v19, v0;
	vm15 =	vne.s32 v18, v20  }
0x1e1: {  	vm0 =	vmand vm14, vm15  }
0x1e2: {  	v18 =	vsel vm0, $0xFFFFFFFF, v9  }
0x1e3: {  	v18 =	vadd.s32 v18, v17;
	_ =	sdelay $0x4  }
0x1e4: {  	v17 =	vld.idx.msk [tilespmem:v18+s26+$0x0], $0xffff;
	_ =	sdelay $0x7  }
0x1e5: {  	v17 =	vld.idx.msk [tilespmem:v17+s17+$0x0], $0xffff;
	_ =	sdelay $0x2  }
0x1e6: {  	v18 =	vmul.u32 $0x1FFFFFFD, v18;
	_ =	sdelay $0x1  }
0x1e7: {  	v18 =	vadd.s32 v16, v18;
	v19 =	vmul.u32 $0x18, v17  }
0x1e8: {  	v15 =	vbroadcast v14, $0x0;
	v18 =	vshll.u32 v18, $0x3  }
0x1e9: {  	s23 =	smul.u32 $0xCC, s3;
	s0 =	simm.s32 $0x10;
	v19 =	vadd.s32 v18, v19  }
0x1ea: {  	v18 =	vor.u32 s0, v0;
	v19 =	vadd.s32 v15, v19  }
0x1eb: {  	s18 =	simm.s32 $0x20;
	v14 =	vmov s23;
	v20 =	vmulhi.u32 $0xAAAAAAAB, v18  }
.LBB2_30:
0x1ec: {  	p1 =	sne.s32 s18, $0xC0  }
0x1ed: {  	v20 =	vshrl.u32 v20, $0x1  }
0x1ee: {  	v21 =	vmul.u32 $0xFFFFFFFD, v20  }
0x1ef: {  	v22 =	vmov s0;
	v23 =	vsub.s32 $0x0, v18;
	s0 =	smov.u32 s18;
	v24 =	vld.idx.msk [tilespmem:v19+s21+$0x0], $0xffff  }
0x1f0: {  	vm0 =	veq.s32 v22, v0;
	vm1 =	vne.s32 v21, v23;
	v19 =	vld.idx.msk [tilespmem:v19+s25+$0x0], $0xffff  }
0x1f1: {  	vm0 =	vmand vm0, vm1  }
0x1f2: {  	v22 =	vadd.s32 v14, v16;
	v16 =	vmov v18;
	v21 =	vsel vm0, $0xFFFFFFFF, v9  }
0x1f3: {  	v18 =	vadd.s32 v21, v20;
	_ =	sdelay $0x1  }
0x1f4: {  	vm0 =	vlt.s32 v17, v13  }
0x1f5: {  	v17 =	vsel vm0, v24, v19  }
0x1f6: {  	[tilespmem:v22+s28+$0x0] =	vst.idx.msk $0xffff, v17  }
0x1f7: {  	v17 =	vld.idx.msk [tilespmem:v18+s26+$0x0], $0xffff;
	_ =	sdelay $0x7  }
0x1f8: {  	v17 =	vld.idx.msk [tilespmem:v17+s17+$0x0], $0xffff;
	_ =	sdelay $0x3  }
0x1f9: {  	v18 =	vmul.u32 $0x1FFFFFFD, v18;
	_ =	sdelay $0x1  }
.Ltmp23:
0x1fa: {  	v18 =	vadd.s32 v16, v18;
	v19 =	vmul.u32 $0x18, v17;
	(pc) =	sbr.rel @p1 .LBB2_30-.Ltmp23, $4  }
0x1fb: {  	v18 =	vshll.u32 v18, $0x3  }
0x1fc: {  	v19 =	vadd.s32 v18, v19  }
0x1fd: {  	v18 =	vor.u32 s18, v0;
	v19 =	vadd.s32 v15, v19  }
0x1fe: {  	s18 =	sadd.s32 $0x10, s18;
	v20 =	vmulhi.u32 $0xAAAAAAAB, v18  }
0x1ff: {  	_ = 	snop  }
0x200: {  	v20 =	vshrl.u32 v20, $0x1  }
0x201: {  	v21 =	vmul.u32 $0xFFFFFFFD, v20  }
0x202: {  	v22 =	vmov s0;
	v23 =	vsub.s32 $0x0, v18  }
0x203: {  	v24 =	vld.idx.msk [tilespmem:v19+s21+$0x0], $0xffff;
	vm0 =	veq.s32 v22, v0;
	vm1 =	vne.s32 v21, v23  }
0x204: {  	v60 =	vld.idx.msk [tilespmem:v19+s25+$0x0], $0xffff;
	vm0 =	vmand vm0, vm1  }
0x205: {  	v16 =	vadd.s32 v14, v16;
	v61 =	vsel vm0, $0xFFFFFFFF, v9  }
0x206: {  	v20 =	vadd.s32 v61, v20;
	_ =	sdelay $0x1  }
0x207: {  	vm14 =	vlt.s32 v17, v13  }
0x208: {  	v17 =	vsel vm14, v24, v60  }
0x209: {  	[tilespmem:v16+s28+$0x0] =	vst.idx.msk $0xffff, v17  }
0x20a: {  	v16 =	vld.idx.msk [tilespmem:v20+s26+$0x0], $0xffff;
	_ =	sdelay $0x7  }
0x20b: {  	v16 =	vld.idx.msk [tilespmem:v16+s17+$0x0], $0xffff;
	_ =	sdelay $0x2  }
0x20c: {  	v62 =	vmul.u32 $0x1FFFFFFD, v20;
	_ =	sdelay $0x1  }
0x20d: {  	v17 =	vadd.s32 v18, v62;
	v63 =	vmul.u32 $0x18, v16  }
0x20e: {  	v17 =	vshll.u32 v17, $0x3  }
0x20f: {  	v17 =	vadd.s32 v17, v63  }
0x210: {  	v15 =	vadd.s32 v15, v17;
	_ =	sdelay $0x4  }
0x211: {  	v17 =	vld.idx.msk [tilespmem:v15+s21+$0x0], $0xffff  }
0x212: {  	s3 =	sadd.s32 $0x1, s3;
	v15 =	vld.idx.msk [tilespmem:v15+s25+$0x0], $0xffff  }
0x213: {  	v14 =	vadd.s32 v14, v18;
	p1 =	sne.s32 s3, $0x8  }
.Ltmp24:
0x214: {  	_ = 	snop;
	(pc) =	sbr.rel @p1 .LBB2_27-.Ltmp24, $4  }
0x215: {  	_ = 	snop  }
0x216: {  	vm15 =	vlt.s32 v16, v13  }
0x217: {  	v15 =	vsel vm15, v17, v15  }
0x218: {  	[tilespmem:v14+s28+$0x0] =	vst.idx.msk $0xffff, v15  }
.Ltmp25:
0x219: {  	s0 =	rddreg [dreg:$0xa];
	(pc) =	sbr.rel .LBB2_33-.Ltmp25, $4  }
0x21a: {  	[hbm4b:s0+s5] =	stream.linear.scatter [tilespmem:s28], [sflag:$0x3], $0x660, $0x38;
	[tilespmem:$0x1EB00] =	vst v63  }
0x21b: {  	_ =	swait.ge [sflag:s16], $0x660  }
0x21c: {  	[sflag:s16] =	ssyncset.done $0x0  }
0x21d: {  	[sflag:s16] =	ssyncadd.s32 $0xFFFFF9A0  }
.LBB2_34:
0x21e: {  	_ =	sfence.sel $0x180000  }
0x21f: {  	[bflag:$0x0] =	sbarrier.arrive $0xFFFF  }
0x220: {  	_ =	strace $0x90000047  }
0x221: {  	s0 =	stileid.u32;
	[bflag:$0x2] =	sbarrier.arrive $0xFFFF  }
0x222: {  	p0 =	sne.s32 s0, $0x0;
	s0 =	rddreg [dreg:$0x4]  }
0x223: {  	s0 =	sadd.s32 @!p0 $0x100000, s0  }
0x224: {  	[sflag:s0] =	ssyncadd.tile.s32 @!p0 $0x1;
	_ =	shalt  }
.Lfunc_end2:
_tile_overlayer_lowered:
.L_overlay_start_2:
0x225: {  	(tag) =	ssettag $0x2  }
0x226: {  	s0 =	rddreg [dreg:$0x0];
	s2 =	stileid.u32  }
0x227: {  	s1 =	rddreg [dreg:$0x1];
	p0 =	sne.s32 s2, $0x0  }
0x228: {  	s3 =	rddreg [dreg:$0x2];
	[bflag:$0x3] =	sbarrier.arrive $0xFFFF;
	s2 =	simm.s32 @!p0 $0x1C03  }
0x229: {  	[timem:s3], [sflag:s2] =	dma.local @!p0 [hbm:s0], s1  }
0x22a: {  	s0 =	simm.s32 @!p0 $0x3  }
0x22b: {  	_ =	swait.ge @!p0 [sflag:s0], s1  }
0x22c: {  	s1 =	ssub.s32 @!p0 $0x0, s1;
	[sflag:s0] =	ssyncset.done @!p0 $0x0  }
0x22d: {  	[sflag:s0] =	ssyncadd.s32 @!p0 s1  }
0x22e: {  	[bflag:$0x3] =	sbarrier.arrive $0xFFFF  }
0x22f: {  	_ =	shalt  }

</sc_bundles>
